<compile_context>
chip_gen: v7x
topology: tpu7x:2x2x1
jax: 0.10.2.dev20260603
libtpu: 0.0.44.dev20260713+nightly
codegen_flags: <defaults>
</compile_context>

<pallas_src>
import functools

import jax
import jax.numpy as jnp
from jax import lax
from jax.experimental import pallas as pl
from jax.experimental.pallas import tpu as pltpu
from jax.experimental.pallas import tpu_sc as plsc

V = 1000
VP = 1024
B = 1024
S = 50
N = B * S
NW = 32
R = N // NW
C = 40
NCHUNK = R // C
L = 16


def _logz_body(bigram_ref, out_ref):
    x = bigram_ref[...]
    m = jnp.max(x, axis=1, keepdims=True)
    s = jnp.sum(jnp.exp(x - m), axis=1, keepdims=True)
    out_ref[...] = (m + jnp.log(s)).reshape(1, V)


def _compute_logz(bigram):
    return pl.pallas_call(
        _logz_body,
        out_shape=jax.ShapeDtypeStruct((1, V), jnp.float32),
    )(bigram)


def _finalize_body(part_ref, out_ref):
    out_ref[...] = jnp.sum(part_ref[...], keepdims=True).reshape(1, 1) * (1.0 / N)


def _finalize(partials):
    return pl.pallas_call(
        _finalize_body,
        out_shape=jax.ShapeDtypeStruct((1, 1), jnp.float32),
    )(partials)


def _sc_body(tpad_hbm, flat_hbm, idx_hbm, tgt_hbm, logz_hbm,
             y_hbm, part_hbm,
             idx_v, tgt_v, fidx_v, lz_v, pick_v, bufs, acc_v,
             sem_g, sem_o, sem_p):
    wid = lax.axis_index("s") * 2 + lax.axis_index("c")
    base = wid * R
    pltpu.sync_copy(idx_hbm.at[pl.ds(base, R)], idx_v)
    pltpu.sync_copy(tgt_hbm.at[pl.ds(base, R)], tgt_v)

    lz_copy = pltpu.async_copy(logz_hbm.at[idx_v], lz_v, sem_p)

    def mkflat(g, _):
        o = pl.ds(g * L, L)
        fidx_v[o] = idx_v[o] * V + tgt_v[o]
        return 0

    lax.fori_loop(0, R // L, mkflat, 0)
    lz_copy.wait()
    pltpu.async_copy(flat_hbm.at[fidx_v], pick_v, sem_p).wait()

    def accum(g, acc):
        o = pl.ds(g * L, L)
        return acc + (lz_v[o] - pick_v[o])

    acc = lax.fori_loop(0, R // L, accum, jnp.zeros((L,), jnp.float32))
    acc_v[...] = acc
    pltpu.sync_copy(acc_v, part_hbm.at[pl.ds(wid * L, L)])

    def gather_start(c, slot):
        return pltpu.async_copy(tpad_hbm.at[idx_v.at[pl.ds(c * C, C)]],
                                bufs.at[slot], sem_g)

    def gather_wait(slot):
        pltpu.make_async_copy(tpad_hbm.at[pl.ds(0, C)], bufs.at[slot],
                              sem_g).wait()

    def out_start(c, slot):
        return pltpu.async_copy(bufs.at[slot],
                                y_hbm.at[pl.ds(base + c * C, C), :], sem_o)

    def out_wait(c, slot):
        pltpu.make_async_copy(bufs.at[slot],
                              y_hbm.at[pl.ds(base + c * C, C), :],
                              sem_o).wait()

    gather_start(0, 0)

    def chunk(c, _):
        slot = c % 2
        gather_wait(slot)

        @pl.when(c >= 1)
        def _():
            out_wait(c - 1, 1 - slot)

        @pl.when(c + 1 < NCHUNK)
        def _():
            gather_start(c + 1, 1 - slot)

        out_start(c, slot)
        return 0

    lax.fori_loop(0, NCHUNK, chunk, 0)
    out_wait(NCHUNK - 1, (NCHUNK - 1) % 2)


@jax.jit
def kernel(idx, target, bigram):
    idx_f = idx.reshape(N)
    tgt_f = target.reshape(N)
    flat = bigram.reshape(V * V)
    tpad = jnp.pad(bigram, ((0, 0), (0, VP - V)))
    logz = _compute_logz(bigram).reshape(V)

    mesh = plsc.VectorSubcoreMesh(core_axis_name="c", subcore_axis_name="s")
    sc = functools.partial(
        pl.kernel,
        mesh=mesh,
        out_type=[
            jax.ShapeDtypeStruct((N, VP), jnp.float32),
            jax.ShapeDtypeStruct((NW * L,), jnp.float32),
        ],
        scratch_types=[
            pltpu.VMEM((R,), jnp.int32),
            pltpu.VMEM((R,), jnp.int32),
            pltpu.VMEM((R,), jnp.int32),
            pltpu.VMEM((R,), jnp.float32),
            pltpu.VMEM((R,), jnp.float32),
            pltpu.VMEM((2, C, VP), jnp.float32),
            pltpu.VMEM((L,), jnp.float32),
            pltpu.SemaphoreType.DMA,
            pltpu.SemaphoreType.DMA,
            pltpu.SemaphoreType.DMA,
        ],
    )(_sc_body)
    y_pad, partials = sc(tpad, flat, idx_f, tgt_f, logz)

    loss = _finalize(partials.reshape(1, NW * L))
    return y_pad[:, :V].reshape(B, S, V), loss.reshape(())

# --- scband reference (transcript-rebuilt; emitter-appended) ---
"""Pipeline reference for scband-bigram-27333171872331 (READ-ONLY COPY).

The authoritative reference and input builder live on the scoring server;
editing this copy changes nothing except your own understanding.
"""

import jax, jax.numpy as jnp
import numpy as np

V = 1000
B = 1024
S = 50


def setup_inputs(seed: int = 0) -> dict:
    key = jax.random.key(seed)
    k1, k2, k3 = jax.random.split(key, 3)
    idx = jax.random.randint(k1, (B, S), 0, V, dtype=jnp.int32)
    target = jax.random.randint(k2, (B, S), 0, V, dtype=jnp.int32)
    # learned parameter: bigram logit table [V, V] (torch inits zeros; use small noise
    # so softmax/loss are non-degenerate while staying faithful in structure)
    bigram = jax.random.normal(k3, (V, V), dtype=jnp.float32) * 0.02
    return {"idx": idx, "target": target, "bigram": bigram}


def reference(idx, target, bigram):
    # y = self.bigram[idx] : embedding-style row gather -> (B, S, V)
    y = jnp.take(bigram, idx, axis=0)
    # F.cross_entropy(y.view(-1, V), target.view(-1), ignore_index=-1)
    logits = y.reshape(-1, y.shape[-1])
    tgt = target.reshape(-1)
    mask = (tgt != -1)
    safe_tgt = jnp.where(mask, tgt, 0)
    logz = jax.nn.logsumexp(logits, axis=-1)
    picked = jnp.take_along_axis(logits, safe_tgt[:, None], axis=-1)[:, 0]
    nll = (logz - picked) * mask.astype(logits.dtype)
    denom = jnp.maximum(mask.sum(), 1).astype(logits.dtype)
    loss = nll.sum() / denom
    return (y, loss)

if __name__ == "__main__":
    import jax
    _d = setup_inputs()
    print(jax.jit(kernel)(*tuple(_d.values())))

</pallas_src>

<mosaic_0001>
#map = affine_map<(d0, d1) -> (0, 0)>
#map1 = affine_map<(d0, d1) -> (0)>
module attributes {stable_mosaic.version = 14 : i64} {
  func.func @_sc_body(%arg0: i32, %arg1: i32, %arg2: memref<1000x1024xf32, #tpu.memory_space<hbm>>, %arg3: memref<1000000xf32, #tpu.memory_space<hbm>>, %arg4: memref<51200xi32, #tpu.memory_space<hbm>>, %arg5: memref<51200xi32, #tpu.memory_space<hbm>>, %arg6: memref<1000xf32, #tpu.memory_space<hbm>>, %arg7: memref<51200x1024xf32, #tpu.memory_space<hbm>>, %arg8: memref<512xf32, #tpu.memory_space<hbm>>, %arg9: memref<1600xi32, #tpu.memory_space<vmem>>, %arg10: memref<1600xi32, #tpu.memory_space<vmem>>, %arg11: memref<1600xi32, #tpu.memory_space<vmem>>, %arg12: memref<1600xf32, #tpu.memory_space<vmem>>, %arg13: memref<1600xf32, #tpu.memory_space<vmem>>, %arg14: memref<2x40x1024xf32, #tpu.memory_space<vmem>>, %arg15: memref<16xf32, #tpu.memory_space<vmem>>, %arg16: memref<!tpu.dma_semaphore, #tpu.memory_space<semaphore_mem>>, %arg17: memref<!tpu.dma_semaphore, #tpu.memory_space<semaphore_mem>>, %arg18: memref<!tpu.dma_semaphore, #tpu.memory_space<semaphore_mem>>) attributes {dimension_semantics = [#tpu.dimension_semantics<core_parallel>, #tpu.dimension_semantics<subcore_parallel>], iteration_bounds = array<i64: 2, 16>, scalar_prefetch = 0 : i64, scratch_operands = 10 : i64, tpu.core_type = #tpu.core_type<sc_vector_subcore>, window_params = [{transform_indices = #map}, {transform_indices = #map1}, {transform_indices = #map1}, {transform_indices = #map1}, {transform_indices = #map1}, {transform_indices = #map}, {transform_indices = #map1}]} {
    %mul3A = arith.constant 2 : i32
    %mul3A_0 = arith.muli %arg1, %mul3A : i32
    %add3A = arith.addi %mul3A_0, %arg0 : i32
    %mul3A_1 = arith.constant 1600 : i32
    %mul3A_2 = arith.muli %add3A, %mul3A_1 : i32
    "tpu.region"() ({
      %run_scoped3A = tpu.sem_alloc : memref<!tpu.dma_semaphore, #tpu.memory_space<semaphore_mem>>
      %dma_start3A_59 = tpu.memref_slice %arg4[%mul3A_2] : memref<51200xi32, #tpu.memory_space<hbm>> -> memref<1600xi32, #tpu.memory_space<hbm>>
      %dma_start3A_60 = tpu.memref_slice %arg4[%mul3A_2] : memref<51200xi32, #tpu.memory_space<hbm>> -> memref<1600xi32, #tpu.memory_space<hbm>>
      tpu.enqueue_dma source(%dma_start3A_60 : memref<1600xi32, #tpu.memory_space<hbm>>) target(%arg9 : memref<1600xi32, #tpu.memory_space<vmem>>) target_semaphore(%run_scoped3A : memref<!tpu.dma_semaphore, #tpu.memory_space<semaphore_mem>>)
      %dma_wait3A_61 = tpu.memref_slice %arg4[%mul3A_2] : memref<51200xi32, #tpu.memory_space<hbm>> -> memref<1600xi32, #tpu.memory_space<hbm>>
      %dma_wait3A_62 = tpu.memref_slice %arg4[%mul3A_2] : memref<51200xi32, #tpu.memory_space<hbm>> -> memref<1600xi32, #tpu.memory_space<hbm>>
      tpu.wait_dma2 semaphore(%run_scoped3A : memref<!tpu.dma_semaphore, #tpu.memory_space<semaphore_mem>>) src(%dma_wait3A_62 : memref<1600xi32, #tpu.memory_space<hbm>>) dst(%arg9 : memref<1600xi32, #tpu.memory_space<vmem>>)
      tpu.yield
    }) : () -> ()
    "tpu.region"() ({
      %run_scoped3A = tpu.sem_alloc : memref<!tpu.dma_semaphore, #tpu.memory_space<semaphore_mem>>
      %dma_start3A_59 = tpu.memref_slice %arg5[%mul3A_2] : memref<51200xi32, #tpu.memory_space<hbm>> -> memref<1600xi32, #tpu.memory_space<hbm>>
      %dma_start3A_60 = tpu.memref_slice %arg5[%mul3A_2] : memref<51200xi32, #tpu.memory_space<hbm>> -> memref<1600xi32, #tpu.memory_space<hbm>>
      tpu.enqueue_dma source(%dma_start3A_60 : memref<1600xi32, #tpu.memory_space<hbm>>) target(%arg10 : memref<1600xi32, #tpu.memory_space<vmem>>) target_semaphore(%run_scoped3A : memref<!tpu.dma_semaphore, #tpu.memory_space<semaphore_mem>>)
      %dma_wait3A_61 = tpu.memref_slice %arg5[%mul3A_2] : memref<51200xi32, #tpu.memory_space<hbm>> -> memref<1600xi32, #tpu.memory_space<hbm>>
      %dma_wait3A_62 = tpu.memref_slice %arg5[%mul3A_2] : memref<51200xi32, #tpu.memory_space<hbm>> -> memref<1600xi32, #tpu.memory_space<hbm>>
      tpu.wait_dma2 semaphore(%run_scoped3A : memref<!tpu.dma_semaphore, #tpu.memory_space<semaphore_mem>>) src(%dma_wait3A_62 : memref<1600xi32, #tpu.memory_space<hbm>>) dst(%arg10 : memref<1600xi32, #tpu.memory_space<vmem>>)
      tpu.yield
    }) : () -> ()
    %dma_start3A = arith.constant 0 : i32
    %dma_start3A_3 = tpu.memref_slice %arg6[%dma_start3A] : memref<1000xf32, #tpu.memory_space<hbm>> -> memref<1000xf32, #tpu.memory_space<hbm>>
    tpu.enqueue_indirect_dma source(%dma_start3A_3 : memref<1000xf32, #tpu.memory_space<hbm>>) target(%arg12 : memref<1600xf32, #tpu.memory_space<vmem>>) offsets(%arg9 : memref<1600xi32, #tpu.memory_space<vmem>>) semaphore(%arg18 : memref<!tpu.dma_semaphore, #tpu.memory_space<semaphore_mem>>)
    %scan3A = arith.constant 0 : i32
    %scan3A_4 = arith.constant 0 : i32
    %scan3A_5 = arith.constant 100 : i32
    %scan3A_6 = arith.addi %scan3A_4, %scan3A_5 : i32
    %scan3A_7 = arith.constant 1 : i32
    %scan3A_8 = scf.for %scan3A_59 = %scan3A_4 to %scan3A_6 step %scan3A_7 iter_args(%scan3A_60 = %scan3A) -> (i32)  : i32 {
      %mul3A_61 = arith.constant 16 : i32
      %mul3A_62 = arith.muli %scan3A_59, %mul3A_61 : i32
      %get3A = arith.index_cast %mul3A_62 : i32 to index
      %get3A_63 = tpu.vector_load %arg9[%get3A] {strides = array<i32>} : memref<1600xi32, #tpu.memory_space<vmem>>, vector<16xi32>,
      %get3A_64 = vector.shape_cast %get3A_63 : vector<16xi32> to vector<16xi32>
      %mul3A_65 = arith.constant 1000 : i32
      %mul3A_66 = vector.broadcast %mul3A_65 : i32 to vector<16xi32>
      %mul3A_67 = arith.muli %get3A_64, %mul3A_66 : vector<16xi32>
      %get3A_68 = arith.index_cast %mul3A_62 : i32 to index
      %get3A_69 = tpu.vector_load %arg10[%get3A_68] {strides = array<i32>} : memref<1600xi32, #tpu.memory_space<vmem>>, vector<16xi32>,
      %get3A_70 = vector.shape_cast %get3A_69 : vector<16xi32> to vector<16xi32>
      %add3A_71 = arith.addi %mul3A_67, %get3A_70 : vector<16xi32>
      %swap3A_72 = arith.index_cast %mul3A_62 : i32 to index
      %swap3A_73 = tpu.vector_load %arg11[%swap3A_72] {strides = array<i32>} : memref<1600xi32, #tpu.memory_space<vmem>>, vector<16xi32>,
      %swap3A_74 = vector.shape_cast %swap3A_73 : vector<16xi32> to vector<16xi32>
      %swap3A_75 = vector.shape_cast %add3A_71 : vector<16xi32> to vector<16xi32>
      tpu.vector_store %arg11[%swap3A_72], %swap3A_75 {strides = array<i32>} : memref<1600xi32, #tpu.memory_space<vmem>>, vector<16xi32>,
      %scan3A_76 = arith.constant 0 : i32
      scf.yield %scan3A_76 : i32
    }
    %scan3A_9 = arith.constant 100 : i32
    %dma_wait3A = arith.constant 0 : i32
    %dma_wait3A_10 = tpu.memref_slice %arg6[%dma_wait3A] : memref<1000xf32, #tpu.memory_space<hbm>> -> memref<1000xf32, #tpu.memory_space<hbm>>
    tpu.wait_indirect_dma semaphore(%arg18 : memref<!tpu.dma_semaphore, #tpu.memory_space<semaphore_mem>>) src(%dma_wait3A_10 : memref<1000xf32, #tpu.memory_space<hbm>>) dst(%arg12 : memref<1600xf32, #tpu.memory_space<vmem>>)
    %dma_start3A_11 = arith.constant 0 : i32
    %dma_start3A_12 = tpu.memref_slice %arg3[%dma_start3A_11] : memref<1000000xf32, #tpu.memory_space<hbm>> -> memref<1000000xf32, #tpu.memory_space<hbm>>
    tpu.enqueue_indirect_dma source(%dma_start3A_12 : memref<1000000xf32, #tpu.memory_space<hbm>>) target(%arg13 : memref<1600xf32, #tpu.memory_space<vmem>>) offsets(%arg11 : memref<1600xi32, #tpu.memory_space<vmem>>) semaphore(%arg18 : memref<!tpu.dma_semaphore, #tpu.memory_space<semaphore_mem>>)
    %dma_wait3A_13 = arith.constant 0 : i32
    %dma_wait3A_14 = tpu.memref_slice %arg3[%dma_wait3A_13] : memref<1000000xf32, #tpu.memory_space<hbm>> -> memref<1000000xf32, #tpu.memory_space<hbm>>
    tpu.wait_indirect_dma semaphore(%arg18 : memref<!tpu.dma_semaphore, #tpu.memory_space<semaphore_mem>>) src(%dma_wait3A_14 : memref<1000000xf32, #tpu.memory_space<hbm>>) dst(%arg13 : memref<1600xf32, #tpu.memory_space<vmem>>)
    %broadcast_in_dim3A = arith.constant 0.000000e+00 : f32
    %broadcast_in_dim3A_15 = vector.broadcast %broadcast_in_dim3A : f32 to vector<16xf32>
    %scan3A_16 = arith.constant 0 : i32
    %scan3A_17 = arith.constant 100 : i32
    %scan3A_18 = arith.addi %scan3A_16, %scan3A_17 : i32
    %scan3A_19 = arith.constant 1 : i32
    %scan3A_20 = scf.for %scan3A_59 = %scan3A_16 to %scan3A_18 step %scan3A_19 iter_args(%scan3A_60 = %broadcast_in_dim3A_15) -> (vector<16xf32>)  : i32 {
      %mul3A_61 = arith.constant 16 : i32
      %mul3A_62 = arith.muli %scan3A_59, %mul3A_61 : i32
      %get3A = arith.index_cast %mul3A_62 : i32 to index
      %get3A_63 = tpu.vector_load %arg12[%get3A] {strides = array<i32>} : memref<1600xf32, #tpu.memory_space<vmem>>, vector<16xf32>,
      %get3A_64 = vector.shape_cast %get3A_63 : vector<16xf32> to vector<16xf32>
      %get3A_65 = arith.index_cast %mul3A_62 : i32 to index
      %get3A_66 = tpu.vector_load %arg13[%get3A_65] {strides = array<i32>} : memref<1600xf32, #tpu.memory_space<vmem>>, vector<16xf32>,
      %get3A_67 = vector.shape_cast %get3A_66 : vector<16xf32> to vector<16xf32>
      %sub3A = arith.subf %get3A_64, %get3A_67 : vector<16xf32>
      %add3A_68 = arith.addf %scan3A_60, %sub3A : vector<16xf32>
      scf.yield %add3A_68 : vector<16xf32>
    }
    %scan3A_21 = arith.constant 100 : i32
    %swap3A = arith.constant 0 : index
    %swap3A_22 = tpu.vector_load %arg15[%swap3A] {strides = array<i32>} : memref<16xf32, #tpu.memory_space<vmem>>, vector<16xf32>,
    %swap3A_23 = vector.shape_cast %swap3A_22 : vector<16xf32> to vector<16xf32>
    %swap3A_24 = vector.shape_cast %scan3A_20 : vector<16xf32> to vector<16xf32>
    tpu.vector_store %arg15[%swap3A], %swap3A_24 {strides = array<i32>} : memref<16xf32, #tpu.memory_space<vmem>>, vector<16xf32>,
    %mul3A_25 = arith.constant 16 : i32
    %mul3A_26 = arith.muli %add3A, %mul3A_25 : i32
    "tpu.region"() ({
      %run_scoped3A = tpu.sem_alloc : memref<!tpu.dma_semaphore, #tpu.memory_space<semaphore_mem>>
      %dma_start3A_59 = tpu.memref_slice %arg8[%mul3A_26] : memref<512xf32, #tpu.memory_space<hbm>> -> memref<16xf32, #tpu.memory_space<hbm>>
      %dma_start3A_60 = tpu.memref_slice %arg8[%mul3A_26] : memref<512xf32, #tpu.memory_space<hbm>> -> memref<16xf32, #tpu.memory_space<hbm>>
      tpu.enqueue_dma source(%arg15 : memref<16xf32, #tpu.memory_space<vmem>>) target(%dma_start3A_60 : memref<16xf32, #tpu.memory_space<hbm>>) target_semaphore(%run_scoped3A : memref<!tpu.dma_semaphore, #tpu.memory_space<semaphore_mem>>)
      %dma_wait3A_61 = tpu.memref_slice %arg8[%mul3A_26] : memref<512xf32, #tpu.memory_space<hbm>> -> memref<16xf32, #tpu.memory_space<hbm>>
      %dma_wait3A_62 = tpu.memref_slice %arg8[%mul3A_26] : memref<512xf32, #tpu.memory_space<hbm>> -> memref<16xf32, #tpu.memory_space<hbm>>
      tpu.wait_dma2 semaphore(%run_scoped3A : memref<!tpu.dma_semaphore, #tpu.memory_space<semaphore_mem>>) src(%arg15 : memref<16xf32, #tpu.memory_space<vmem>>) dst(%dma_wait3A_62 : memref<16xf32, #tpu.memory_space<hbm>>)
      tpu.yield
    }) : () -> ()
    %dma_start3A_27 = arith.constant 0 : i32
    %dma_start3A_28 = arith.constant 0 : i32
    %dma_start3A_29 = arith.constant 0 : i32
    %dma_start3A_30 = tpu.memref_slice %arg14[%dma_start3A_27, %dma_start3A_28, %dma_start3A_29] : memref<2x40x1024xf32, #tpu.memory_space<vmem>> -> memref<1x40x1024xf32, #tpu.memory_space<vmem>>
    %dma_start3A_31 = tpu.memref_squeeze %dma_start3A_30 : memref<1x40x1024xf32, #tpu.memory_space<vmem>> -> memref<40x1024xf32, #tpu.memory_space<vmem>>
    %dma_start3A_32 = arith.constant 0 : i32
    %dma_start3A_33 = tpu.memref_slice %arg9[%dma_start3A_32] : memref<1600xi32, #tpu.memory_space<vmem>> -> memref<40xi32, #tpu.memory_space<vmem>>
    %dma_start3A_34 = arith.constant 0 : i32
    %dma_start3A_35 = arith.constant 0 : i32
    %dma_start3A_36 = tpu.memref_slice %arg2[%dma_start3A_34, %dma_start3A_35] : memref<1000x1024xf32, #tpu.memory_space<hbm>> -> memref<1000x1024xf32, #tpu.memory_space<hbm>>
    tpu.enqueue_indirect_dma source(%dma_start3A_36 : memref<1000x1024xf32, #tpu.memory_space<hbm>>) target(%dma_start3A_31 : memref<40x1024xf32, #tpu.memory_space<vmem>>) offsets(%dma_start3A_33 : memref<40xi32, #tpu.memory_space<vmem>>) semaphore(%arg16 : memref<!tpu.dma_semaphore, #tpu.memory_space<semaphore_mem>>)
    %scan3A_37 = arith.constant 0 : i32
    %scan3A_38 = arith.constant 0 : i32
    %scan3A_39 = arith.constant 40 : i32
    %scan3A_40 = arith.addi %scan3A_38, %scan3A_39 : i32
    %scan3A_41 = arith.constant 1 : i32
    %scan3A_42 = scf.for %scan3A_59 = %scan3A_38 to %scan3A_40 step %scan3A_41 iter_args(%scan3A_60 = %scan3A_37) -> (i32)  : i32 {
      %jit3A = arith.constant 2 : i32
      %eq3A = arith.constant 0 : i32
      %eq3A_61 = arith.cmpi eq, %jit3A, %eq3A : i32
      %jit3A_62 = arith.constant 1 : i32
      %select_n3A = arith.select %eq3A_61, %jit3A_62, %jit3A : i32
      %rem3A = arith.remsi %scan3A_59, %select_n3A : i32
      %ne3A = arith.constant 0 : i32
      %ne3A_63 = arith.cmpi ne, %rem3A, %ne3A : i32
      %lt3A = arith.constant 0 : i32
      %lt3A_64 = arith.cmpi slt, %rem3A, %lt3A : i32
      %lt3A_65 = arith.constant 0 : i32
      %lt3A_66 = arith.cmpi slt, %select_n3A, %lt3A_65 : i32
      %ne3A_67 = arith.xori %lt3A_64, %lt3A_66 : i1
      %and3A = arith.andi %ne3A_67, %ne3A_63 : i1
      %add3A_68 = arith.addi %rem3A, %select_n3A : i32
      %select_n3A_69 = arith.select %and3A, %add3A_68, %rem3A : i32
      %dma_wait3A_70 = arith.constant 0 : i32
      %dma_wait3A_71 = arith.constant 0 : i32
      %dma_wait3A_72 = tpu.memref_slice %arg14[%select_n3A_69, %dma_wait3A_70, %dma_wait3A_71] : memref<2x40x1024xf32, #tpu.memory_space<vmem>> -> memref<1x40x1024xf32, #tpu.memory_space<vmem>>
      %dma_wait3A_73 = tpu.memref_squeeze %dma_wait3A_72 : memref<1x40x1024xf32, #tpu.memory_space<vmem>> -> memref<40x1024xf32, #tpu.memory_space<vmem>>
      %dma_wait3A_74 = arith.constant 0 : i32
      %dma_wait3A_75 = arith.constant 0 : i32
      %dma_wait3A_76 = tpu.memref_slice %arg2[%dma_wait3A_74, %dma_wait3A_75] : memref<1000x1024xf32, #tpu.memory_space<hbm>> -> memref<40x1024xf32, #tpu.memory_space<hbm>>
      %dma_wait3A_77 = arith.constant 0 : i32
      %dma_wait3A_78 = arith.constant 0 : i32
      %dma_wait3A_79 = tpu.memref_slice %arg14[%select_n3A_69, %dma_wait3A_77, %dma_wait3A_78] : memref<2x40x1024xf32, #tpu.memory_space<vmem>> -> memref<1x40x1024xf32, #tpu.memory_space<vmem>>
      %dma_wait3A_80 = tpu.memref_squeeze %dma_wait3A_79 : memref<1x40x1024xf32, #tpu.memory_space<vmem>> -> memref<40x1024xf32, #tpu.memory_space<vmem>>
      %dma_wait3A_81 = arith.constant 0 : i32
      %dma_wait3A_82 = arith.constant 0 : i32
      %dma_wait3A_83 = tpu.memref_slice %arg2[%dma_wait3A_81, %dma_wait3A_82] : memref<1000x1024xf32, #tpu.memory_space<hbm>> -> memref<40x1024xf32, #tpu.memory_space<hbm>>
      tpu.wait_dma2 semaphore(%arg16 : memref<!tpu.dma_semaphore, #tpu.memory_space<semaphore_mem>>) src(%dma_wait3A_83 : memref<40x1024xf32, #tpu.memory_space<hbm>>) dst(%dma_wait3A_80 : memref<40x1024xf32, #tpu.memory_space<vmem>>)
      %ge3A = arith.constant 1 : i32
      %ge3A_84 = arith.cmpi sge, %scan3A_59, %ge3A : i32
      %convert_element_type3A = arith.extui %ge3A_84 : i1 to i32
      %cond3A = arith.constant 0 : i32
      %cond3A_85 = arith.cmpi ne, %convert_element_type3A, %cond3A : i32
      scf.if %cond3A_85 {
        %sub3A = arith.constant 1 : i32
        %sub3A_109 = arith.subi %scan3A_59, %sub3A : i32
        %sub3A_110 = arith.constant 1 : i32
        %sub3A_111 = arith.subi %sub3A_110, %select_n3A_69 : i32
        %mul3A_112 = arith.constant 40 : i32
        %mul3A_113 = arith.muli %sub3A_109, %mul3A_112 : i32
        %add3A_114 = arith.addi %mul3A_2, %mul3A_113 : i32
        %dma_wait3A_115 = arith.constant 0 : i32
        %dma_wait3A_116 = arith.constant 0 : i32
        %dma_wait3A_117 = tpu.memref_slice %arg14[%sub3A_111, %dma_wait3A_115, %dma_wait3A_116] : memref<2x40x1024xf32, #tpu.memory_space<vmem>> -> memref<1x40x1024xf32, #tpu.memory_space<vmem>>
        %dma_wait3A_118 = tpu.memref_squeeze %dma_wait3A_117 : memref<1x40x1024xf32, #tpu.memory_space<vmem>> -> memref<40x1024xf32, #tpu.memory_space<vmem>>
        %dma_wait3A_119 = arith.constant 0 : i32
        %dma_wait3A_120 = tpu.memref_slice %arg7[%add3A_114, %dma_wait3A_119] : memref<51200x1024xf32, #tpu.memory_space<hbm>> -> memref<40x1024xf32, #tpu.memory_space<hbm>>
        %dma_wait3A_121 = arith.constant 0 : i32
        %dma_wait3A_122 = tpu.memref_slice %arg7[%add3A_114, %dma_wait3A_121] : memref<51200x1024xf32, #tpu.memory_space<hbm>> -> memref<40x1024xf32, #tpu.memory_space<hbm>>
        %dma_wait3A_123 = arith.constant 0 : i32
        %dma_wait3A_124 = arith.constant 0 : i32
        %dma_wait3A_125 = tpu.memref_slice %arg14[%sub3A_111, %dma_wait3A_123, %dma_wait3A_124] : memref<2x40x1024xf32, #tpu.memory_space<vmem>> -> memref<1x40x1024xf32, #tpu.memory_space<vmem>>
        %dma_wait3A_126 = tpu.memref_squeeze %dma_wait3A_125 : memref<1x40x1024xf32, #tpu.memory_space<vmem>> -> memref<40x1024xf32, #tpu.memory_space<vmem>>
        tpu.wait_dma2 semaphore(%arg17 : memref<!tpu.dma_semaphore, #tpu.memory_space<semaphore_mem>>) src(%dma_wait3A_126 : memref<40x1024xf32, #tpu.memory_space<vmem>>) dst(%dma_wait3A_122 : memref<40x1024xf32, #tpu.memory_space<hbm>>)
      } else {
      }
      %add3A_86 = arith.constant 1 : i32
      %add3A_87 = arith.addi %scan3A_59, %add3A_86 : i32
      %lt3A_88 = arith.constant 40 : i32
      %lt3A_89 = arith.cmpi slt, %add3A_87, %lt3A_88 : i32
      %convert_element_type3A_90 = arith.extui %lt3A_89 : i1 to i32
      %cond3A_91 = arith.constant 0 : i32
      %cond3A_92 = arith.cmpi ne, %convert_element_type3A_90, %cond3A_91 : i32
      scf.if %cond3A_92 {
        %add3A_109 = arith.constant 1 : i32
        %add3A_110 = arith.addi %scan3A_59, %add3A_109 : i32
        %sub3A = arith.constant 1 : i32
        %sub3A_111 = arith.subi %sub3A, %select_n3A_69 : i32
        %mul3A_112 = arith.constant 40 : i32
        %mul3A_113 = arith.muli %add3A_110, %mul3A_112 : i32
        %dma_start3A_114 = arith.constant 0 : i32
        %dma_start3A_115 = arith.constant 0 : i32
        %dma_start3A_116 = tpu.memref_slice %arg14[%sub3A_111, %dma_start3A_114, %dma_start3A_115] : memref<2x40x1024xf32, #tpu.memory_space<vmem>> -> memref<1x40x1024xf32, #tpu.memory_space<vmem>>
        %dma_start3A_117 = tpu.memref_squeeze %dma_start3A_116 : memref<1x40x1024xf32, #tpu.memory_space<vmem>> -> memref<40x1024xf32, #tpu.memory_space<vmem>>
        %dma_start3A_118 = tpu.memref_slice %arg9[%mul3A_113] : memref<1600xi32, #tpu.memory_space<vmem>> -> memref<40xi32, #tpu.memory_space<vmem>>
        %dma_start3A_119 = arith.constant 0 : i32
        %dma_start3A_120 = arith.constant 0 : i32
        %dma_start3A_121 = tpu.memref_slice %arg2[%dma_start3A_119, %dma_start3A_120] : memref<1000x1024xf32, #tpu.memory_space<hbm>> -> memref<1000x1024xf32, #tpu.memory_space<hbm>>
        tpu.enqueue_indirect_dma source(%dma_start3A_121 : memref<1000x1024xf32, #tpu.memory_space<hbm>>) target(%dma_start3A_117 : memref<40x1024xf32, #tpu.memory_space<vmem>>) offsets(%dma_start3A_118 : memref<40xi32, #tpu.memory_space<vmem>>) semaphore(%arg16 : memref<!tpu.dma_semaphore, #tpu.memory_space<semaphore_mem>>)
      } else {
      }
      %mul3A_93 = arith.constant 40 : i32
      %mul3A_94 = arith.muli %scan3A_59, %mul3A_93 : i32
      %add3A_95 = arith.addi %mul3A_2, %mul3A_94 : i32
      %dma_start3A_96 = arith.constant 0 : i32
      %dma_start3A_97 = arith.constant 0 : i32
      %dma_start3A_98 = tpu.memref_slice %arg14[%select_n3A_69, %dma_start3A_96, %dma_start3A_97] : memref<2x40x1024xf32, #tpu.memory_space<vmem>> -> memref<1x40x1024xf32, #tpu.memory_space<vmem>>
      %dma_start3A_99 = tpu.memref_squeeze %dma_start3A_98 : memref<1x40x1024xf32, #tpu.memory_space<vmem>> -> memref<40x1024xf32, #tpu.memory_space<vmem>>
      %dma_start3A_100 = arith.constant 0 : i32
      %dma_start3A_101 = tpu.memref_slice %arg7[%add3A_95, %dma_start3A_100] : memref<51200x1024xf32, #tpu.memory_space<hbm>> -> memref<40x1024xf32, #tpu.memory_space<hbm>>
      %dma_start3A_102 = arith.constant 0 : i32
      %dma_start3A_103 = tpu.memref_slice %arg7[%add3A_95, %dma_start3A_102] : memref<51200x1024xf32, #tpu.memory_space<hbm>> -> memref<40x1024xf32, #tpu.memory_space<hbm>>
      %dma_start3A_104 = arith.constant 0 : i32
      %dma_start3A_105 = arith.constant 0 : i32
      %dma_start3A_106 = tpu.memref_slice %arg14[%select_n3A_69, %dma_start3A_104, %dma_start3A_105] : memref<2x40x1024xf32, #tpu.memory_space<vmem>> -> memref<1x40x1024xf32, #tpu.memory_space<vmem>>
      %dma_start3A_107 = tpu.memref_squeeze %dma_start3A_106 : memref<1x40x1024xf32, #tpu.memory_space<vmem>> -> memref<40x1024xf32, #tpu.memory_space<vmem>>
      tpu.enqueue_dma source(%dma_start3A_107 : memref<40x1024xf32, #tpu.memory_space<vmem>>) target(%dma_start3A_103 : memref<40x1024xf32, #tpu.memory_space<hbm>>) target_semaphore(%arg17 : memref<!tpu.dma_semaphore, #tpu.memory_space<semaphore_mem>>)
      %scan3A_108 = arith.constant 0 : i32
      scf.yield %scan3A_108 : i32
    }
    %scan3A_43 = arith.constant 40 : i32
    %add3A_44 = arith.constant 1560 : i32
    %add3A_45 = arith.addi %mul3A_2, %add3A_44 : i32
    %dma_wait3A_46 = arith.constant 1 : i32
    %dma_wait3A_47 = arith.constant 0 : i32
    %dma_wait3A_48 = arith.constant 0 : i32
    %dma_wait3A_49 = tpu.memref_slice %arg14[%dma_wait3A_46, %dma_wait3A_47, %dma_wait3A_48] : memref<2x40x1024xf32, #tpu.memory_space<vmem>> -> memref<1x40x1024xf32, #tpu.memory_space<vmem>>
    %dma_wait3A_50 = tpu.memref_squeeze %dma_wait3A_49 : memref<1x40x1024xf32, #tpu.memory_space<vmem>> -> memref<40x1024xf32, #tpu.memory_space<vmem>>
    %dma_wait3A_51 = arith.constant 0 : i32
    %dma_wait3A_52 = tpu.memref_slice %arg7[%add3A_45, %dma_wait3A_51] : memref<51200x1024xf32, #tpu.memory_space<hbm>> -> memref<40x1024xf32, #tpu.memory_space<hbm>>
    %dma_wait3A_53 = arith.constant 0 : i32
    %dma_wait3A_54 = tpu.memref_slice %arg7[%add3A_45, %dma_wait3A_53] : memref<51200x1024xf32, #tpu.memory_space<hbm>> -> memref<40x1024xf32, #tpu.memory_space<hbm>>
    %dma_wait3A_55 = arith.constant 0 : i32
    %dma_wait3A_56 = arith.constant 0 : i32
    %dma_wait3A_57 = tpu.memref_slice %arg14[%dma_wait3A_46, %dma_wait3A_55, %dma_wait3A_56] : memref<2x40x1024xf32, #tpu.memory_space<vmem>> -> memref<1x40x1024xf32, #tpu.memory_space<vmem>>
    %dma_wait3A_58 = tpu.memref_squeeze %dma_wait3A_57 : memref<1x40x1024xf32, #tpu.memory_space<vmem>> -> memref<40x1024xf32, #tpu.memory_space<vmem>>
    tpu.wait_dma2 semaphore(%arg17 : memref<!tpu.dma_semaphore, #tpu.memory_space<semaphore_mem>>) src(%dma_wait3A_58 : memref<40x1024xf32, #tpu.memory_space<vmem>>) dst(%dma_wait3A_54 : memref<40x1024xf32, #tpu.memory_space<hbm>>)
    return
  }
}

module attributes {stable_mosaic.version = 14 : i64} {
  func.func @_logz_body(%arg0: memref<1000x1000xf32, #tpu.memory_space<vmem>>, %arg1: memref<1x1000xf32, #tpu.memory_space<vmem>>) attributes {dimension_semantics = [], scalar_prefetch = 0 : i64, scratch_operands = 0 : i64, tpu.core_type = #tpu.core_type<tc>} {
    %get3A = arith.constant 0 : index
    %get3A_0 = arith.constant 0 : index
    %get3A_1 = vector.load %arg0[%get3A, %get3A_0] : memref<1000x1000xf32, #tpu.memory_space<vmem>>, vector<1000x1000xf32>
    %reduce_max3A = arith.constant dense<0xFF800000> : vector<1000xf32>
    %reduce_max3A_2 = vector.multi_reduction <maximumf>, %get3A_1, %reduce_max3A [1] : vector<1000x1000xf32> to vector<1000xf32>
    %broadcast_in_dim3A = vector.shape_cast %reduce_max3A_2 : vector<1000xf32> to vector<1000x1xf32>
    %sub3A = vector.broadcast %broadcast_in_dim3A : vector<1000x1xf32> to vector<1000x1000xf32>
    %sub3A_3 = arith.subf %get3A_1, %sub3A : vector<1000x1000xf32>
    %exp3A = math.exp %sub3A_3 : vector<1000x1000xf32>
    %reduce_sum3A = arith.constant dense<0.000000e+00> : vector<1000xf32>
    %reduce_sum3A_4 = vector.multi_reduction <add>, %exp3A, %reduce_sum3A [1] : vector<1000x1000xf32> to vector<1000xf32>
    %broadcast_in_dim3A_5 = vector.shape_cast %reduce_sum3A_4 : vector<1000xf32> to vector<1000x1xf32>
    %log3A = math.log %broadcast_in_dim3A_5 : vector<1000x1xf32>
    %add3A = arith.addf %broadcast_in_dim3A, %log3A : vector<1000x1xf32>
    %reshape3A = vector.shape_cast %add3A : vector<1000x1xf32> to vector<1x1000xf32>
    %swap3A = arith.constant 0 : index
    %swap3A_6 = arith.constant 0 : index
    %swap3A_7 = vector.load %arg1[%swap3A, %swap3A_6] : memref<1x1000xf32, #tpu.memory_space<vmem>>, vector<1x1000xf32>
    tpu.vector_store %arg1[%swap3A, %swap3A_6], %reshape3A {strides = array<i32>} : memref<1x1000xf32, #tpu.memory_space<vmem>>, vector<1x1000xf32>,
    return
  }
}

module attributes {stable_mosaic.version = 14 : i64} {
  func.func @_finalize_body(%arg0: memref<1x512xf32, #tpu.memory_space<vmem>>, %arg1: memref<1x1xf32, #tpu.memory_space<vmem>>) attributes {dimension_semantics = [], scalar_prefetch = 0 : i64, scratch_operands = 0 : i64, tpu.core_type = #tpu.core_type<tc>} {
    %get3A = arith.constant 0 : index
    %get3A_0 = arith.constant 0 : index
    %get3A_1 = vector.load %arg0[%get3A, %get3A_0] : memref<1x512xf32, #tpu.memory_space<vmem>>, vector<1x512xf32>
    %reduce_sum3A = vector.shape_cast %get3A_1 : vector<1x512xf32> to vector<1x1x512xf32>
    %reduce_sum3A_2 = arith.constant dense<0.000000e+00> : vector<1xf32>
    %reduce_sum3A_3 = vector.multi_reduction <add>, %reduce_sum3A, %reduce_sum3A_2 [1, 2] : vector<1x1x512xf32> to vector<1xf32>
    %reduce_sum3A_4 = vector.shape_cast %reduce_sum3A_3 : vector<1xf32> to vector<1x1x1xf32>
    %reduce_sum3A_5 = vector.extract %reduce_sum3A_4[0, 0, 0] : f32 from vector<1x1x1xf32>
    %broadcast_in_dim3A = vector.broadcast %reduce_sum3A_5 : f32 to vector<1x1xf32>
    %mul3A = arith.constant 1.95312496E-5 : f32
    %mul3A_6 = vector.broadcast %mul3A : f32 to vector<1x1xf32>
    %mul3A_7 = arith.mulf %broadcast_in_dim3A, %mul3A_6 : vector<1x1xf32>
    %swap3A = arith.constant 0 : index
    %swap3A_8 = arith.constant 0 : index
    %swap3A_9 = vector.load %arg1[%swap3A, %swap3A_8] : memref<1x1xf32, #tpu.memory_space<vmem>>, vector<1x1xf32>
    tpu.vector_store %arg1[%swap3A, %swap3A_8], %mul3A_7 {strides = array<i32>} : memref<1x1xf32, #tpu.memory_space<vmem>>, vector<1x1xf32>,
    return
  }
}

</mosaic_0001>

<sc_bundles>
// kernel: kernel.5.cloned.1.call-start
scs
__scs_entry_jumppad:
0x0: {  	(pc) =	sbr.rel $0x88, $3  }
0x1: {  	(tag) =	ssettag $0x0;
	lr =	simm.s32 $0x1  }
0x2: {  	[smem:$0x3F9E] =	sst lr;
	_ =	strace $0xD0000000  }
0x3: {  	_ = 	snop  }
0x4: {  	_ = 	snop  }
0x5: {  	_ = 	snop  }
0x6: {  	_ = 	snop  }
0x7: {  	_ = 	snop  }
__scs_overlays_trampoline_lowered:
0x8: {  	[smem:$0x3FAD] =	sst s0  }
0x9: {  	[smem:$0x3FAE] =	sst s1  }
0xa: {  	[smem:$0x3FAF] =	sst s2  }
0xb: {  	[smem:$0x3FB0] =	sst s3  }
0xc: {  	[smem:$0x3FB1] =	sst s4  }
0xd: {  	[smem:$0x3FB2] =	sst s5  }
0xe: {  	[smem:$0x3FB3] =	sst s6  }
0xf: {  	[smem:$0x3FB4] =	sst s7  }
0x10: {  	[smem:$0x3FB5] =	sst s8  }
0x11: {  	[smem:$0x3FB6] =	sst s9;
	s0 =	simm.s32 @!p0 $0x0  }
0x12: {  	s1 =	sld [smem:$0x3F9C];
	s0 =	simm.s32 @p0 $0x1  }
0x13: {  	[smem:$0x3FB7] =	sst s0;
	s0 =	simm.s32 @!p1 $0x0  }
0x14: {  	s2 =	sld [smem:$0x3F9B];
	s0 =	simm.s32 @p1 $0x1  }
0x15: {  	[smem:$0x3FB8] =	sst s0;
	s0 =	simm.s32 @!p2 $0x0  }
0x16: {  	s3 =	sld [smem:$0x3FDB];
	s0 =	simm.s32 @p2 $0x1  }
0x17: {  	s4 =	simm.s32 $0x1BF5;
	[smem:$0x3FBA] =	sst s0  }
0x18: {  	s0 =	sld [smem:$0x3F9D];
	_ =	swait.ge [sflag:s4], $0x0  }
0x19: {  	s7 =	sld [smem:$0x3F9E]  }
0x1a: {  	s8 =	sadd.s32 $0xFFFFE003, lr  }
0x1b: {  	s9 =	sadd.s32 $0xFFFFFEF7, lr;
	s5 =	simm.s32 $0xFFFFFFFF;
	p2 =	slt.u32 s8, $0xFFFFF086  }
0x1c: {  	p1 =	slt.u32 s9, $0xF7A;
	s5 =	simm.s32 @!p2 $0x0  }
0x1d: {  	s5 =	simm.s32 @p1 $0x1;
	p0 =	seq.s32 s7, s2  }
0x1e: {  	s7 =	smul.u32 @!p0 $0xF7A, s2;
	p2 =	seq.s32 @!p0 s5, $0x0  }
0x1f: {  	s9 =	smul.u32 $0xF7A, s1;
	s8 =	simm.s32 @!p0 $0x1BF5;
	p2 =	por !p2, p0  }
0x20: {  	[sflag:s8] =	ssyncset.s32 @!p0 $0xFFFFF086;
	s6 =	sadd.s32 @!p0 s3, s7;
	s7 =	simm.s32 @!p0 $0x108  }
0x21: {  	s3 =	sadd.s32 s3, s9;
	s6 =	sadd.s32 @!p0 $0x88, s6;
	s7 =	simm.s32 @p2 $0x1082  }
0x22: {  	[simem:s7], [sflag:s8] =	dma.local @!p0 [hbm:s6], $0xF7A  }
0x23: {  	s9 =	sor.u32 $0xD0000000, s2;
	s6 =	simm.s32 $0x108;
	_ =	swait.ge @!p0 [sflag:s8], $0x0  }
0x24: {  	s3 =	sadd.s32 $0x88, s3;
	s6 =	simm.s32 @!p1 $0x1082;
	[sflag:s4] =	ssyncset.s32 $0xFFFFF086  }
0x25: {  	[simem:s6], [sflag:s4] =	dma.local [hbm:s3], $0xF7A  }
0x26: {  	[smem:$0x3F9E] =	sst s1;
	(tag) =	ssettag s2;
	_ =	strace s9  }
0x27: {  	s1 =	sld [smem:$0x3FAE]  }
0x28: {  	s2 =	sld [smem:$0x3FAF]  }
0x29: {  	s4 =	sld [smem:$0x3FB1]  }
0x2a: {  	p0 =	seq.s32 s5, $0x0;
	s5 =	sld [smem:$0x3FB2]  }
0x2b: {  	s6 =	sld [smem:$0x3FB3]  }
0x2c: {  	s7 =	sld [smem:$0x3FB4]  }
0x2d: {  	s3 =	simm.s32 $0x108;
	s8 =	sld [smem:$0x3FB5]  }
0x2e: {  	s3 =	simm.s32 @!p0 $0x1082;
	s9 =	sld [smem:$0x3FB6]  }
0x2f: {  	lr =	sadd.s32 s0, s3;
	s0 =	sld [smem:$0x3FAD]  }
0x30: {  	s3 =	sld [smem:$0x3FB0]  }
0x31: {  	[smem:$0x3FB9] =	sst s10  }
0x32: {  	s10 =	sld [smem:$0x3FB7];
	_ =	sdelay $0x3  }
0x33: {  	p0 =	seq.s32 s10, $0x1;
	s10 =	sld [smem:$0x3FB9];
	_ =	sdelay $0x3  }
0x34: {  	[smem:$0x3FB9] =	sst s10  }
0x35: {  	s10 =	sld [smem:$0x3FB8];
	_ =	sdelay $0x3  }
0x36: {  	p1 =	seq.s32 s10, $0x1;
	s10 =	sld [smem:$0x3FB9];
	_ =	sdelay $0x3  }
0x37: {  	[smem:$0x3FB9] =	sst s10  }
0x38: {  	s10 =	sld [smem:$0x3FBA]  }
0x39: {  	_ = 	snop;
	(pc) =	sbr.ind lr, $3  }
0x3a: {  	_ = 	snop  }
0x3b: {  	_ = 	snop  }
0x3c: {  	p2 =	seq.s32 s10, $0x1;
	s10 =	sld [smem:$0x3FB9]  }
0x3d: {  	_ =	shalt  }
0x3e: {  	_ =	shalt  }
0x3f: {  	_ =	shalt  }
0x40: {  	_ =	shalt  }
0x41: {  	_ =	shalt  }
0x42: {  	_ =	shalt  }
0x43: {  	_ =	shalt  }
0x44: {  	_ =	shalt  }
0x45: {  	_ =	shalt  }
0x46: {  	_ =	shalt  }
0x47: {  	_ =	shalt  }
0x48: {  	_ =	shalt  }
0x49: {  	_ =	shalt  }
0x4a: {  	_ =	shalt  }
0x4b: {  	_ =	shalt  }
0x4c: {  	_ =	shalt  }
0x4d: {  	_ =	shalt  }
0x4e: {  	_ =	shalt  }
0x4f: {  	_ =	shalt  }
0x50: {  	_ =	shalt  }
0x51: {  	_ =	shalt  }
0x52: {  	_ =	shalt  }
0x53: {  	_ =	shalt  }
0x54: {  	_ =	shalt  }
0x55: {  	_ =	shalt  }
0x56: {  	_ =	shalt  }
0x57: {  	_ =	shalt  }
0x58: {  	_ =	shalt  }
0x59: {  	_ =	shalt  }
0x5a: {  	_ =	shalt  }
0x5b: {  	_ =	shalt  }
0x5c: {  	_ =	shalt  }
0x5d: {  	_ =	shalt  }
0x5e: {  	_ =	shalt  }
0x5f: {  	_ =	shalt  }
0x60: {  	_ =	shalt  }
0x61: {  	_ =	shalt  }
0x62: {  	_ =	shalt  }
0x63: {  	_ =	shalt  }
0x64: {  	_ =	shalt  }
0x65: {  	_ =	shalt  }
0x66: {  	_ =	shalt  }
0x67: {  	_ =	shalt  }
0x68: {  	_ =	shalt  }
0x69: {  	_ =	shalt  }
0x6a: {  	_ =	shalt  }
0x6b: {  	_ =	shalt  }
0x6c: {  	_ =	shalt  }
0x6d: {  	_ =	shalt  }
0x6e: {  	_ =	shalt  }
0x6f: {  	_ =	shalt  }
0x70: {  	_ =	shalt  }
0x71: {  	_ =	shalt  }
0x72: {  	_ =	shalt  }
0x73: {  	_ =	shalt  }
0x74: {  	_ =	shalt  }
0x75: {  	_ =	shalt  }
0x76: {  	_ =	shalt  }
0x77: {  	_ =	shalt  }
0x78: {  	_ =	shalt  }
0x79: {  	_ =	shalt  }
0x7a: {  	_ =	shalt  }
0x7b: {  	_ =	shalt  }
0x7c: {  	_ =	shalt  }
0x7d: {  	_ =	shalt  }
0x7e: {  	_ =	shalt  }
0x7f: {  	_ =	shalt  }
0x80: {  	_ =	shalt  }
0x81: {  	_ =	shalt  }
0x82: {  	_ =	shalt  }
0x83: {  	_ =	shalt  }
0x84: {  	_ =	shalt  }
0x85: {  	_ =	shalt  }
0x86: {  	_ =	shalt  }
0x87: {  	_ =	shalt  }
.Lfunc_end0:
.L_simem_size_0:
called_computation.1_lowered:
.L_overlay_start_0:
0x88: {  	s2 =	sld [smem:$0x3FD9]  }
0x89: {  	s3 =	sld [smem:$0x3FFE];
	_ =	sdelay $0x1  }
0x8a: {  	s1 =	srdreg.scid  }
0x8b: {  	s0 =	sand.u32 $0x1, s1  }
0x8c: {  	s14 =	sshll.u32 s0, $0xA;
	s2 =	sadd.s32 s3, s2  }
0x8d: {  	s2 =	sadd.s32 s2, s14  }
0x8e: {  	[smem:$0x3FC5] =	sst s2  }
0x8f: {  	_ = 	snop  }
0x90: {  	s2 =	sld [smem:$0x3FD0];
	_ =	sdelay $0x2  }
0x91: {  	s15 =	simm.s32 $0xA;
	s4 =	simm.s32 $0x10  }
0x92: {  	[smem:s4], [sflag:s15] =	dma.local [hbm:s2], $0x1  }
0x93: {  	_ =	swait.eq [sflag:s15], $0x1  }
0x94: {  	[sflag:s15] =	ssyncset.done $0x0  }
0x95: {  	[sflag:s15] =	ssyncadd.s32 $0xFFFFFFFF  }
0x96: {  	s16 =	sld [smem:$0x10];
	(tm) =	ssettm $0x1  }
0x97: {  	s17 =	sld [smem:$0x3FFB];
	_ =	sdelay $0x3  }
0x98: {  	_ =	strace s17  }
0x99: {  	s3 =	sld [smem:$0x3FFC];
	_ =	sdelay $0x3  }
0x9a: {  	_ =	strace s3  }
0x9b: {  	s3 =	sld [smem:$0x3FFD];
	_ =	sdelay $0x3  }
0x9c: {  	_ =	strace s3  }
0x9d: {  	_ =	strace $0x8FFFFFFF  }
0x9e: {  	s18 =	sld [smem:$0x3FDB];
	_ =	sdelay $0x1  }
0x9f: {  	s19 =	simm.s32 $_scs_section_size  }
0xa0: {  	s5 =	simm.s32 $_size__tile_overlayer_lowered;
	s6 =	simm.s32 $_tile_overlayer_lowered  }
0xa1: {  	s22 =	simm.s32 $0x1BFF;
	s21 =	sshll.u32 s6, $0x1;
	s3 =	sadd.s32 s19, s18  }
0xa2: {  	s7 =	simm.s32 $0x0;
	s20 =	sshll.u32 s5, $0x1;
	s5 =	sadd.s32 s21, s3  }
0xa3: {  	[timem:s7], [sflag:s22] =	dma.local [hbm:s5], s20  }
0xa4: {  	_ =	swait.ge [sflag:s22], s20  }
0xa5: {  	s4 =	ssub.s32 $0x0, s20;
	[sflag:s22] =	ssyncset.done $0x0  }
0xa6: {  	[sflag:s22] =	ssyncadd.s32 s4;
	_ =	sdelay $0x1  }
0xa7: {  	s23 =	simm.s32 $0x1B8B  }
0xa8: {  	_ =	swait.ge [sflag:s23], $0x1  }
0xa9: {  	[sflag:s23] =	ssyncset.done $0x0  }
0xaa: {  	s25 =	simm.s32 $0x1B8E;
	s24 =	sld [smem:$0x3FFE];
	[sflag:s23] =	ssyncadd.s32 $0xFFFFFFFF  }
0xab: {  	s26 =	simm.s32 $execute0_lowered;
	[smem:$0x3FD2] =	sst s25  }
0xac: {  	s5 =	sshll.u32 s26, $0x1;
	_ =	strace $0x80000046;
	[dreg:$0x1] =	wrdreg $0xFFFFFFFF  }
0xad: {  	s28 =	simm.s32 $_size_execute0_lowered;
	s3 =	sadd.s32 s3, s5;
	[dreg:$0x0] =	wrdreg $0x0  }
0xae: {  	s5 =	sshll.u32 s28, $0x1;
	[dreg:$0x2] =	wrdreg s3  }
0xaf: {  	[dreg:$0x3] =	wrdreg s5  }
0xb0: {  	[dreg:$0x4] =	wrdreg $0xC0  }
0xb1: {  	_ =	task [dreg:s7], $0x5FFFF  }
0xb2: {  	[dreg:$0x1] =	wrdreg $0xFFFFFFFF  }
0xb3: {  	[dreg:$0x0] =	wrdreg $0x60  }
0xb4: {  	[dreg:$0x2] =	wrdreg s16  }
0xb5: {  	[dreg:$0x3] =	wrdreg s24  }
0xb6: {  	[dreg:$0x4] =	wrdreg $0x9  }
0xb7: {  	_ =	task.clear_ibuf [dreg:s7], $0x5FFFF;
	_ =	strace $0x90000046  }
0xb8: {  	s29 =	simm.s32 $0x9;
	_ =	strace $0x80000048  }
0xb9: {  	_ =	swait.ge [sflag:s29], $0x1  }
0xba: {  	[sflag:s29] =	ssyncadd.s32 $0xFFFFFFFF  }
0xbb: {  	_ =	strace $0x90000048  }
0xbc: {  	_ =	sfence  }
0xbd: {  	s30 =	sld [smem:$0x0];
	_ =	sdelay $0x2  }
0xbe: {  	s31 =	sshll.u32 s1, $0xD;
	s1 =	sshrl.u32 s1, $0x2  }
0xbf: {  	s3 =	sand.u32 $0x4000, s31;
	s1 =	sadd.s32 s1, s30  }
0xc0: {  	s0 =	sor.u32 s3, s0;
	s1 =	sshll.u32 s1, $0x11  }
0xc1: {  	s0 =	sor.u32 s1, s0  }
0xc2: {  	s0 =	sadd.s32 $0x8F2B, s0  }
0xc3: {  	[sflag:s0] =	ssyncadd.remote.s32 $0x1  }
0xc4: {  	_ =	sfence.sel $0xFFFF  }
0xc5: {  	[dreg:$0x0] =	wrdreg $0xFFFFFFFF;
	(pc) =	sbr.abs _section_cstart, $3  }
0xc6: {  	[dreg:$0x1] =	wrdreg $0xFFFFFFFF  }
0xc7: {  	_ =	task.clear_ibuf [dreg:s7], $0x2FFFF;
	_ =	strace $0x9FFFFFFF  }
0xc8: {  	(tm) =	ssettm $0x7FFFFFFF  }
0xc9: {  	_ =	shalt  }
tec
execute0_lowered:
.L_overlay_start_1:
0x0: {  	(tag) =	ssettag $0x1  }
0x1: {  	s0 =	srdreg.scid;
	s2 =	rddreg [dreg:$0x0]  }
0x2: {  	s1 =	stileid.u32;
	s8 =	rddreg [dreg:$0x1];
	s4 =	simm.s32 $0x0  }
0x3: {  	s15 =	simm.s32 $0x4;
	s17 =	simm.s32 $0x640;
	s19 =	simm.s32 $0x3  }
0x4: {  	s22 =	simm.s32 $0x9080;
	s23 =	simm.s32 $0x9880;
	s24 =	simm.s32 $0xA080  }
0x5: {  	s25 =	simm.s32 $0xA880;
	s28 =	simm.s32 $0xB880;
	s29 =	simm.s32 $0x1  }
0x6: {  	s30 =	simm.s32 $0x2;
	s31 =	simm.s32 $0x0;
	s0 =	sand.u32 $0x1, s0  }
0x7: {  	s1 =	sshll.u32 s1, $0x1;
	[smem:$0x7FF] =	sst s4;
	s5 =	sadd.s32 $0x1400, s8  }
0x8: {  	s7 =	sadd.s32 $0x23200, s8;
	s11 =	sadd.s32 $0x100, s2;
	s1 =	sor.u32 s0, s1  }
0x9: {  	s12 =	sadd.s32 $0x200, s2;
	s13 =	sadd.s32 $0x300, s2;
	s3 =	smul.u32 $0x640, s1  }
.Ltmp0:
0xa: {  	s0 =	ssub.s32 $0x2, s0;
	s1 =	sshll.u32 s1, $0x1;
	(pc) =	sbr.rel .LBB2_1-.Ltmp0, $4  }
0xb: {  	_ =	strace $0x80000047;
	s26 =	sshrl.u32 s0, $0x1;
	s1 =	sadd.s32 s1, s8  }
0xc: {  	v2 =	vlaneseq.u32;
	s0 =	ssub.s32 s0, s26;
	s26 =	simm.s32 $0xB080;
	s6 =	sshrl.u32 s3, $0x3  }
0xd: {  	vm0 =	vmmov $0xffff;
	v1 =	vshrl.u32 v2, $0x3;
	s10 =	sadd.s32 $0x663200, s1;
	s14 =	smax.u32 s0, $0x1;
	s9 =	sadd.s32 s6, s8  }
0xe: {  	v0 =	vand.u32 $0x7, v2;
	v2 =	vor.u32 $0x8, v2;
	v1 =	vmul.u32 $0x8, v1;
	s6 =	sadd.s32 $0x1200, s8;
	s8 =	sadd.s32 $0x1FE00, s9;
	s9 =	sadd.s32 $0x21800, s9  }
.LBB2_9:
0xf: {  	s31 =	sadd.s32 $0x1, s31  }
0x10: {  	p0 =	sne.s32 s31, s14  }
.Ltmp1:
0x11: {  	_ = 	snop;
	(pc) =	sbr.rel @!p0 .LBB2_10-.Ltmp1, $4  }
0x12: {  	_ = 	snop  }
0x13: {  	_ =	swait.ge [sflag:s30], $0xA000  }
0x14: {  	[sflag:s30] =	ssyncset.done $0x0  }
0x15: {  	[sflag:s30] =	ssyncadd.s32 $0xFFFF6000  }
.LBB2_1:
0x16: {  	[tilespmem:s4], [sflag:$0x4] =	stream.linear.gather [hbm4b:s8+s4], $0x640, $0x38;
	[tilespmem:$0x16100] =	vst v63  }
0x17: {  	_ =	swait.ge [sflag:s15], $0x640  }
0x18: {  	[sflag:s15] =	ssyncset.done $0x0  }
0x19: {  	s0 =	simm.s32 $0x680;
	[sflag:s15] =	ssyncadd.s32 $0xFFFFF9C0  }
0x1a: {  	[tilespmem:s0], [sflag:$0x4] =	stream.linear.gather [hbm4b:s9+s4], $0x640, $0x38;
	[tilespmem:$0x16100] =	vst v63  }
0x1b: {  	_ =	swait.ge [sflag:s15], $0x640  }
0x1c: {  	[sflag:s15] =	ssyncset.done $0x0  }
0x1d: {  	s21 =	simm.s32 $0x1380;
	s0 =	simm.s32 $0x0;
	[sflag:s15] =	ssyncadd.s32 $0xFFFFF9C0  }
0x1e: {  	[tilespmem:s21], [sflag:$0x3] =	stream.indirect.gather [hbm4b:s6+s17], $0x1, s4, s17, $0xb8;
	[tilespmem:$0x16100] =	vst v63  }
0x1f: {  	v3 =	vld [tilespmem:s0+$0x0]  }
0x20: {  	s1 =	simm.s32 $0x40;
	v4 =	vld [tilespmem:s0+$0x680]  }
.LBB2_2:
0x21: {  	_ = 	snop  }
0x22: {  	p0 =	sne.s32 s1, $0x18C0  }
.Ltmp2:
0x23: {  	_ = 	snop;
	(pc) =	sbr.rel @p0 .LBB2_2-.Ltmp2, $4  }
0x24: {  	v5 =	vmul.u32 $0x3E8, v3  }
0x25: {  	s16 =	sshra.s32 s1, $0x2  }
0x26: {  	v3 =	vld [tilespmem:s16+$0x0];
	v5 =	vadd.s32 v4, v5  }
0x27: {  	s1 =	sadd.s32 $0x40, s1;
	v4 =	vld [tilespmem:s16+$0x680];
	[tilespmem:s0+$0xD00] =	vst v5;
	s0 =	smov.u32 s16  }
0x28: {  	_ =	sdelay $0x2  }
0x29: {  	v3 =	vmul.u32 $0x3E8, v3;
	_ =	sdelay $0x1  }
0x2a: {  	v3 =	vadd.s32 v4, v3  }
0x2b: {  	[tilespmem:s0+$0xD00] =	vst v3  }
0x2c: {  	_ =	swait.ge [sflag:s19], $0x640  }
0x2d: {  	[sflag:s19] =	ssyncset.done $0x0  }
0x2e: {  	s20 =	simm.s32 $0xD00;
	s1 =	simm.s32 $0x1A00;
	[sflag:s19] =	ssyncadd.s32 $0xFFFFF9C0  }
0x2f: {  	[tilespmem:s1], [sflag:$0x3] =	stream.indirect.gather [hbm4b:s5+s17], $0x1, s20, s17, $0xb8;
	[tilespmem:$0x16100] =	vst v63  }
0x30: {  	_ =	swait.ge [sflag:s19], $0x640  }
0x31: {  	[sflag:s19] =	ssyncset.done $0x0  }
0x32: {  	s21 =	simm.s32 $0x0;
	[sflag:s19] =	ssyncadd.s32 $0xFFFFF9C0  }
0x33: {  	v4 =	vld [tilespmem:s21+$0x1380]  }
0x34: {  	v3 =	vimm.f32 $0.0e+00;
	s0 =	simm.s32 $0x40;
	v5 =	vld [tilespmem:s21+$0x1A00]  }
.LBB2_4:
0x35: {  	_ = 	snop  }
0x36: {  	p0 =	sne.s32 s0, $0x18C0  }
.Ltmp3:
0x37: {  	_ = 	snop;
	(pc) =	sbr.rel @p0 .LBB2_4-.Ltmp3, $4  }
0x38: {  	_ = 	snop  }
0x39: {  	s1 =	sshra.s32 s0, $0x2;
	v6 =	vsub.f32 v4, v5  }
0x3a: {  	v4 =	vld [tilespmem:s1+$0x1380]  }
0x3b: {  	s0 =	sadd.s32 $0x40, s0;
	v5 =	vld [tilespmem:s1+$0x1A00];
	v3 =	vadd.f32 v6, v3  }
0x3c: {  	_ =	sdelay $0x3  }
0x3d: {  	v4 =	vsub.f32 v4, v5;
	_ =	sdelay $0x1  }
0x3e: {  	v3 =	vadd.f32 v4, v3;
	_ =	sdelay $0x1  }
0x3f: {  	s1 =	simm.s32 $0x0;
	s0 =	simm.s32 $0x16080;
	[tilespmem:$0x16080] =	vst v3  }
0x40: {  	[hbm4b:s10+s1] =	stream.linear.scatter [tilespmem:s0], [sflag:$0x4], $0x10, $0x38;
	[tilespmem:$0x16100] =	vst v63  }
0x41: {  	_ =	swait.ge [sflag:s15], $0x10  }
0x42: {  	[sflag:s15] =	ssyncset.done $0x0  }
0x43: {  	[sflag:s15] =	ssyncadd.s32 $0xFFFFFFF0  }
0x44: {  	v3 =	vld [tilespmem:$0x0];
	_ =	sdelay $0x4  }
0x45: {  	v61 =	vshll.u32 v3, $0x3  }
0x46: {  	v3 =	vand.u32 $0x7, v3;
	v4 =	vand.u32 $0xFFFFFFC0, v61  }
0x47: {  	v3 =	vor.u32 v3, v4  }
0x48: {  	v4 =	vperm.xlane v3, v0;
	_ =	sdelay $0x1  }
0x49: {  	v4 =	vadd.s32 v1, v4;
	_ =	sdelay $0x3  }
0x4a: {  	s20 =	simm.s32 $0x2080  }
0x4b: {  	[tilespmem:s20], [sflag:$0x1] =	stream.indirect_vreg.gather [hbm4b:s2+s1], $0x80, v4, vm0, $0xb8;
	[tilespmem:$0x16100] =	vst v63  }
0x4c: {  	s21 =	simm.s32 $0x2880;
	v3 =	vperm.xlane v3, v2  }
0x4d: {  	[tilespmem:s21], [sflag:$0x1] =	stream.indirect_vreg.gather [hbm4b:s11+s1], $0x80, v4, vm0, $0xb8;
	[tilespmem:$0x16100] =	vst v63  }
0x4e: {  	s16 =	simm.s32 $0x3080;
	v3 =	vadd.s32 v1, v3  }
0x4f: {  	[tilespmem:s16], [sflag:$0x1] =	stream.indirect_vreg.gather [hbm4b:s12+s1], $0x80, v4, vm0, $0xb8;
	[tilespmem:$0x16100] =	vst v63  }
0x50: {  	s18 =	simm.s32 $0x3880  }
0x51: {  	[tilespmem:s18], [sflag:$0x1] =	stream.indirect_vreg.gather [hbm4b:s13+s1], $0x80, v4, vm0, $0xb8;
	[tilespmem:$0x16100] =	vst v63  }
0x52: {  	s20 =	simm.s32 $0x4080  }
0x53: {  	[tilespmem:s20], [sflag:$0x1] =	stream.indirect_vreg.gather [hbm4b:s2+s1], $0x80, v3, vm0, $0xb8;
	[tilespmem:$0x16100] =	vst v63  }
0x54: {  	s21 =	simm.s32 $0x4880  }
0x55: {  	[tilespmem:s21], [sflag:$0x1] =	stream.indirect_vreg.gather [hbm4b:s11+s1], $0x80, v3, vm0, $0xb8;
	[tilespmem:$0x16100] =	vst v63  }
0x56: {  	s16 =	simm.s32 $0x5080  }
0x57: {  	[tilespmem:s16], [sflag:$0x1] =	stream.indirect_vreg.gather [hbm4b:s12+s1], $0x80, v3, vm0, $0xb8;
	[tilespmem:$0x16100] =	vst v63  }
0x58: {  	s18 =	simm.s32 $0x5880  }
0x59: {  	[tilespmem:s18], [sflag:$0x1] =	stream.indirect_vreg.gather [hbm4b:s13+s1], $0x80, v3, vm0, $0xb8;
	[tilespmem:$0x16100] =	vst v63  }
0x5a: {  	v3 =	vld [tilespmem:$0x10];
	_ =	sdelay $0x4  }
0x5b: {  	v62 =	vshll.u32 v3, $0x3  }
0x5c: {  	v3 =	vand.u32 $0x7, v3;
	v4 =	vand.u32 $0xFFFFFFC0, v62  }
0x5d: {  	v3 =	vor.u32 v3, v4  }
0x5e: {  	v4 =	vperm.xlane v3, v0;
	_ =	sdelay $0x1  }
0x5f: {  	v4 =	vadd.s32 v1, v4;
	_ =	sdelay $0x3  }
0x60: {  	s20 =	simm.s32 $0x6080  }
0x61: {  	[tilespmem:s20], [sflag:$0x1] =	stream.indirect_vreg.gather [hbm4b:s2+s1], $0x80, v4, vm0, $0xb8;
	[tilespmem:$0x16100] =	vst v63  }
0x62: {  	s21 =	simm.s32 $0x6880;
	v3 =	vperm.xlane v3, v2  }
0x63: {  	[tilespmem:s21], [sflag:$0x1] =	stream.indirect_vreg.gather [hbm4b:s11+s1], $0x80, v4, vm0, $0xb8;
	[tilespmem:$0x16100] =	vst v63  }
0x64: {  	s16 =	simm.s32 $0x7080;
	v3 =	vadd.s32 v1, v3  }
0x65: {  	[tilespmem:s16], [sflag:$0x1] =	stream.indirect_vreg.gather [hbm4b:s12+s1], $0x80, v4, vm0, $0xb8;
	[tilespmem:$0x16100] =	vst v63  }
0x66: {  	s18 =	simm.s32 $0x7880  }
0x67: {  	[tilespmem:s18], [sflag:$0x1] =	stream.indirect_vreg.gather [hbm4b:s13+s1], $0x80, v4, vm0, $0xb8;
	[tilespmem:$0x16100] =	vst v63  }
0x68: {  	s20 =	simm.s32 $0x8080  }
0x69: {  	[tilespmem:s20], [sflag:$0x1] =	stream.indirect_vreg.gather [hbm4b:s2+s1], $0x80, v3, vm0, $0xb8;
	[tilespmem:$0x16100] =	vst v63  }
0x6a: {  	s21 =	simm.s32 $0x8880  }
0x6b: {  	[tilespmem:s21], [sflag:$0x1] =	stream.indirect_vreg.gather [hbm4b:s11+s1], $0x80, v3, vm0, $0xb8;
	[tilespmem:$0x16100] =	vst v63  }
0x6c: {  	_ = 	snop  }
0x6d: {  	[tilespmem:s22], [sflag:$0x1] =	stream.indirect_vreg.gather [hbm4b:s12+s1], $0x80, v3, vm0, $0xb8;
	[tilespmem:$0x16100] =	vst v63  }
0x6e: {  	_ = 	snop  }
0x6f: {  	[tilespmem:s23], [sflag:$0x1] =	stream.indirect_vreg.gather [hbm4b:s13+s1], $0x80, v3, vm0, $0xb8;
	[tilespmem:$0x16100] =	vst v63  }
0x70: {  	v3 =	vld.msk [tilespmem:$0x20], $0xff;
	_ =	sdelay $0x4  }
0x71: {  	v63 =	vshll.u32 v3, $0x3  }
0x72: {  	v3 =	vand.u32 $0x7, v3;
	v4 =	vand.u32 $0xFFFFFFC0, v63  }
0x73: {  	v3 =	vor.u32 v3, v4  }
0x74: {  	v3 =	vperm.xlane v3, v0;
	_ =	sdelay $0x1  }
0x75: {  	v3 =	vadd.s32 v1, v3;
	_ =	sdelay $0x4  }
0x76: {  	[tilespmem:s24], [sflag:$0x1] =	stream.indirect_vreg.gather [hbm4b:s2+s1], $0x80, v3, vm0, $0xb8;
	[tilespmem:$0x16100] =	vst v63  }
0x77: {  	_ = 	snop  }
0x78: {  	[tilespmem:s25], [sflag:$0x1] =	stream.indirect_vreg.gather [hbm4b:s11+s1], $0x80, v3, vm0, $0xb8;
	[tilespmem:$0x16100] =	vst v63  }
.Ltmp4:
0x79: {  	_ = 	snop;
	(pc) =	sbr.rel .LBB2_6-.Ltmp4, $4  }
0x7a: {  	_ = 	snop  }
0x7b: {  	[tilespmem:s26], [sflag:$0x1] =	stream.indirect_vreg.gather [hbm4b:s12+s1], $0x80, v3, vm0, $0xb8;
	[tilespmem:$0x16100] =	vst v63  }
0x7c: {  	_ = 	snop  }
0x7d: {  	[tilespmem:s28], [sflag:$0x1] =	stream.indirect_vreg.gather [hbm4b:s13+s1], $0x80, v3, vm0, $0xb8;
	[tilespmem:$0x16100] =	vst v63  }
.LBB2_8:
0x7e: {  	s1 =	smul.u32 $0x28, s1  }
0x7f: {  	s16 =	smul.u32 $0x28000, s16;
	p0 =	slt.u32 s0, $0x28  }
.Ltmp5:
0x80: {  	s1 =	sadd.s32 s3, s1;
	(pc) =	sbr.rel @!p0 .LBB2_9-.Ltmp5, $4  }
0x81: {  	s16 =	sshrl.u32 s16, $0x2;
	s1 =	sshll.u32 s1, $0x7  }
0x82: {  	s16 =	sadd.s32 $0x2080, s16;
	s1 =	sadd.s32 s7, s1  }
0x83: {  	[hbm4b:s1+s4] =	stream.linear.scatter [tilespmem:s16], [sflag:$0x2], $0xA000, $0x38;
	[tilespmem:$0x16100] =	vst v63  }
0x84: {  	s1 =	smov.u32 s0  }
.LBB2_6:
0x85: {  	p0 =	seq.s32 s1, $0x0  }
0x86: {  	p1 =	seq.s32 @!p0 s1, $0x27  }
0x87: {  	_ =	swait.ge [sflag:s29], $0xA000;
	p1 =	por p0, !p1  }
.Ltmp6:
0x88: {  	[sflag:s29] =	ssyncset.done $0x0;
	(pc) =	sbr.rel @!p1 .LBB2_8-.Ltmp6, $4  }
0x89: {  	s0 =	simm.s32 @!p0 $0x2;
	[sflag:s29] =	ssyncadd.s32 $0xFFFF6000  }
0x8a: {  	_ =	swait.ge @!p0 [sflag:s0], $0xA000  }
0x8b: {  	[sflag:s0] =	ssyncset.done @!p0 $0x0  }
0x8c: {  	s16 =	sand.u32 $0x1, s1;
	[sflag:s0] =	ssyncadd.s32 @!p0 $0xFFFF6000;
	s0 =	simm.s32 @!p0 $0x28  }
0x8d: {  	s0 =	sadd.s32 @!p0 $0x1, s1  }
0x8e: {  	s0 =	simm.s32 @p0 $0x1  }
0x8f: {  	s18 =	smul.u32 $0xA0, s0;
	_ =	sdelay $0x1  }
0x90: {  	s18 =	sshra.s32 s18, $0x2  }
0x91: {  	v3 =	vld [tilespmem:s18+$0x0];
	_ =	sdelay $0x4  }
0x92: {  	v4 =	vshll.u32 v3, $0x3  }
0x93: {  	v3 =	vand.u32 $0x7, v3;
	v4 =	vand.u32 $0xFFFFFFC0, v4  }
0x94: {  	v3 =	vor.u32 v3, v4  }
0x95: {  	v4 =	vperm.xlane v3, v0;
	_ =	sdelay $0x1  }
0x96: {  	s20 =	sxor.u32 $0x1, s16;
	v4 =	vadd.s32 v1, v4  }
0x97: {  	s20 =	smul.u32 $0x28000, s20;
	_ =	sdelay $0x1  }
0x98: {  	s20 =	sshrl.u32 s20, $0x2  }
0x99: {  	s21 =	sadd.s32 $0x2080, s20  }
0x9a: {  	[tilespmem:s21], [sflag:$0x1] =	stream.indirect_vreg.gather [hbm4b:s2+s4], $0x80, v4, vm0, $0xb8;
	[tilespmem:$0x16100] =	vst v63  }
0x9b: {  	v3 =	vperm.xlane v3, v2;
	s21 =	sadd.s32 $0x2880, s20  }
0x9c: {  	[tilespmem:s21], [sflag:$0x1] =	stream.indirect_vreg.gather [hbm4b:s11+s4], $0x80, v4, vm0, $0xb8;
	[tilespmem:$0x16100] =	vst v63  }
0x9d: {  	v3 =	vadd.s32 v1, v3;
	s21 =	sadd.s32 $0x3080, s20  }
0x9e: {  	[tilespmem:s21], [sflag:$0x1] =	stream.indirect_vreg.gather [hbm4b:s12+s4], $0x80, v4, vm0, $0xb8;
	[tilespmem:$0x16100] =	vst v63  }
0x9f: {  	s21 =	sadd.s32 $0x3880, s20  }
0xa0: {  	[tilespmem:s21], [sflag:$0x1] =	stream.indirect_vreg.gather [hbm4b:s13+s4], $0x80, v4, vm0, $0xb8;
	[tilespmem:$0x16100] =	vst v63  }
0xa1: {  	s21 =	sadd.s32 $0x4080, s20  }
0xa2: {  	[tilespmem:s21], [sflag:$0x1] =	stream.indirect_vreg.gather [hbm4b:s2+s4], $0x80, v3, vm0, $0xb8;
	[tilespmem:$0x16100] =	vst v63  }
0xa3: {  	s21 =	sadd.s32 $0x4880, s20  }
0xa4: {  	[tilespmem:s21], [sflag:$0x1] =	stream.indirect_vreg.gather [hbm4b:s11+s4], $0x80, v3, vm0, $0xb8;
	[tilespmem:$0x16100] =	vst v63  }
0xa5: {  	s21 =	sadd.s32 $0x5080, s20  }
0xa6: {  	[tilespmem:s21], [sflag:$0x1] =	stream.indirect_vreg.gather [hbm4b:s12+s4], $0x80, v3, vm0, $0xb8;
	[tilespmem:$0x16100] =	vst v63  }
0xa7: {  	s21 =	sadd.s32 $0x5880, s20  }
0xa8: {  	[tilespmem:s21], [sflag:$0x1] =	stream.indirect_vreg.gather [hbm4b:s13+s4], $0x80, v3, vm0, $0xb8;
	[tilespmem:$0x16100] =	vst v63  }
0xa9: {  	v3 =	vld [tilespmem:s18+$0x10];
	_ =	sdelay $0x4  }
0xaa: {  	v62 =	vshll.u32 v3, $0x3  }
0xab: {  	v3 =	vand.u32 $0x7, v3;
	v4 =	vand.u32 $0xFFFFFFC0, v62  }
0xac: {  	v3 =	vor.u32 v3, v4  }
0xad: {  	v4 =	vperm.xlane v3, v0;
	_ =	sdelay $0x1  }
0xae: {  	v4 =	vadd.s32 v1, v4;
	_ =	sdelay $0x3  }
0xaf: {  	s21 =	sadd.s32 $0x6080, s20  }
0xb0: {  	[tilespmem:s21], [sflag:$0x1] =	stream.indirect_vreg.gather [hbm4b:s2+s4], $0x80, v4, vm0, $0xb8;
	[tilespmem:$0x16100] =	vst v63  }
0xb1: {  	v3 =	vperm.xlane v3, v2;
	s21 =	sadd.s32 $0x6880, s20  }
0xb2: {  	[tilespmem:s21], [sflag:$0x1] =	stream.indirect_vreg.gather [hbm4b:s11+s4], $0x80, v4, vm0, $0xb8;
	[tilespmem:$0x16100] =	vst v63  }
0xb3: {  	v3 =	vadd.s32 v1, v3;
	s21 =	sadd.s32 $0x7080, s20  }
0xb4: {  	[tilespmem:s21], [sflag:$0x1] =	stream.indirect_vreg.gather [hbm4b:s12+s4], $0x80, v4, vm0, $0xb8;
	[tilespmem:$0x16100] =	vst v63  }
0xb5: {  	s21 =	sadd.s32 $0x7880, s20  }
0xb6: {  	[tilespmem:s21], [sflag:$0x1] =	stream.indirect_vreg.gather [hbm4b:s13+s4], $0x80, v4, vm0, $0xb8;
	[tilespmem:$0x16100] =	vst v63  }
0xb7: {  	s21 =	sadd.s32 $0x8080, s20  }
0xb8: {  	[tilespmem:s21], [sflag:$0x1] =	stream.indirect_vreg.gather [hbm4b:s2+s4], $0x80, v3, vm0, $0xb8;
	[tilespmem:$0x16100] =	vst v63  }
0xb9: {  	s21 =	sadd.s32 $0x8880, s20  }
0xba: {  	[tilespmem:s21], [sflag:$0x1] =	stream.indirect_vreg.gather [hbm4b:s11+s4], $0x80, v3, vm0, $0xb8;
	[tilespmem:$0x16100] =	vst v63  }
0xbb: {  	s21 =	sadd.s32 $0x9080, s20  }
0xbc: {  	[tilespmem:s21], [sflag:$0x1] =	stream.indirect_vreg.gather [hbm4b:s12+s4], $0x80, v3, vm0, $0xb8;
	[tilespmem:$0x16100] =	vst v63  }
0xbd: {  	s21 =	sadd.s32 $0x9880, s20  }
0xbe: {  	[tilespmem:s21], [sflag:$0x1] =	stream.indirect_vreg.gather [hbm4b:s13+s4], $0x80, v3, vm0, $0xb8;
	[tilespmem:$0x16100] =	vst v63  }
0xbf: {  	v3 =	vld.msk [tilespmem:s18+$0x20], $0xff;
	_ =	sdelay $0x4  }
0xc0: {  	v63 =	vshll.u32 v3, $0x3  }
0xc1: {  	v3 =	vand.u32 $0x7, v3;
	v4 =	vand.u32 $0xFFFFFFC0, v63  }
0xc2: {  	v3 =	vor.u32 v3, v4  }
0xc3: {  	v3 =	vperm.xlane v3, v0;
	_ =	sdelay $0x1  }
0xc4: {  	v3 =	vadd.s32 v1, v3;
	_ =	sdelay $0x3  }
0xc5: {  	s21 =	sadd.s32 $0xA080, s20  }
0xc6: {  	[tilespmem:s21], [sflag:$0x1] =	stream.indirect_vreg.gather [hbm4b:s2+s4], $0x80, v3, vm0, $0xb8;
	[tilespmem:$0x16100] =	vst v63  }
0xc7: {  	s21 =	sadd.s32 $0xA880, s20  }
0xc8: {  	[tilespmem:s21], [sflag:$0x1] =	stream.indirect_vreg.gather [hbm4b:s11+s4], $0x80, v3, vm0, $0xb8;
	[tilespmem:$0x16100] =	vst v63  }
.Ltmp7:
0xc9: {  	_ = 	snop;
	(pc) =	sbr.rel .LBB2_8-.Ltmp7, $4  }
0xca: {  	s21 =	sadd.s32 $0xB080, s20  }
0xcb: {  	[tilespmem:s21], [sflag:$0x1] =	stream.indirect_vreg.gather [hbm4b:s12+s4], $0x80, v3, vm0, $0xb8;
	[tilespmem:$0x16100] =	vst v63  }
0xcc: {  	s21 =	sadd.s32 $0xB880, s20  }
0xcd: {  	[tilespmem:s21], [sflag:$0x1] =	stream.indirect_vreg.gather [hbm4b:s13+s4], $0x80, v3, vm0, $0xb8;
	[tilespmem:$0x16100] =	vst v63  }
.LBB2_10:
0xce: {  	_ =	sfence.sel $0x180000  }
0xcf: {  	[bflag:$0x0] =	sbarrier.arrive $0xFFFF  }
0xd0: {  	_ =	strace $0x90000047  }
0xd1: {  	s0 =	stileid.u32;
	[bflag:$0x2] =	sbarrier.arrive $0xFFFF  }
0xd2: {  	p0 =	sne.s32 s0, $0x0;
	s0 =	rddreg [dreg:$0x2]  }
0xd3: {  	s0 =	sadd.s32 @!p0 $0x100000, s0  }
0xd4: {  	[sflag:s0] =	ssyncadd.tile.s32 @!p0 $0x1;
	_ =	shalt  }
.Lfunc_end2:
_tile_overlayer_lowered:
.L_overlay_start_2:
0xd5: {  	(tag) =	ssettag $0x2  }
0xd6: {  	s0 =	rddreg [dreg:$0x0];
	s2 =	stileid.u32  }
0xd7: {  	s1 =	rddreg [dreg:$0x1];
	p0 =	sne.s32 s2, $0x0  }
0xd8: {  	s3 =	rddreg [dreg:$0x2];
	[bflag:$0x3] =	sbarrier.arrive $0xFFFF;
	s2 =	simm.s32 @!p0 $0x1C04  }
0xd9: {  	[timem:s3], [sflag:s2] =	dma.local @!p0 [hbm:s0], s1  }
0xda: {  	s0 =	simm.s32 @!p0 $0x4  }
0xdb: {  	_ =	swait.ge @!p0 [sflag:s0], s1  }
0xdc: {  	s1 =	ssub.s32 @!p0 $0x0, s1;
	[sflag:s0] =	ssyncset.done @!p0 $0x0  }
0xdd: {  	[sflag:s0] =	ssyncadd.s32 @!p0 s1  }
0xde: {  	[bflag:$0x3] =	sbarrier.arrive $0xFFFF  }
0xdf: {  	_ =	shalt  }

// kernel: sparse-core-data-format-call.cloned.1.call-start
scs
called_computation_lowered:
.L_overlay_start_0:
0x0: {  	s2 =	sld [smem:$0x3FD9]  }
0x1: {  	s3 =	sld [smem:$0x3FFE];
	_ =	sdelay $0x1  }
0x2: {  	s1 =	srdreg.scid  }
0x3: {  	s0 =	sand.u32 $0x1, s1  }
0x4: {  	s15 =	sshll.u32 s0, $0xA;
	s2 =	sadd.s32 s3, s2  }
0x5: {  	s2 =	sadd.s32 s2, s15  }
0x6: {  	[smem:$0x3FC5] =	sst s2  }
0x7: {  	_ = 	snop  }
0x8: {  	s2 =	sld [smem:$0x3FD0];
	_ =	sdelay $0x2  }
0x9: {  	s16 =	simm.s32 $0xA;
	s4 =	simm.s32 $0x10  }
0xa: {  	[smem:s4], [sflag:s16] =	dma.local [hbm:s2], $0x1  }
0xb: {  	_ =	swait.eq [sflag:s16], $0x1  }
0xc: {  	[sflag:s16] =	ssyncset.done $0x0  }
0xd: {  	[sflag:s16] =	ssyncadd.s32 $0xFFFFFFFF  }
0xe: {  	s17 =	sld [smem:$0x10];
	(tm) =	ssettm $0x1  }
0xf: {  	s18 =	sld [smem:$0x3FFB];
	_ =	sdelay $0x3  }
0x10: {  	_ =	strace s18  }
0x11: {  	s3 =	sld [smem:$0x3FFC];
	_ =	sdelay $0x3  }
0x12: {  	_ =	strace s3  }
0x13: {  	s3 =	sld [smem:$0x3FFD];
	_ =	sdelay $0x3  }
0x14: {  	_ =	strace s3  }
0x15: {  	_ =	strace $0x8FFFFFFF  }
0x16: {  	s19 =	sld [smem:$0x3FDB];
	_ =	sdelay $0x1  }
0x17: {  	s20 =	simm.s32 $_scs_section_size  }
0x18: {  	s5 =	simm.s32 $_size__tile_overlayer_lowered;
	s6 =	simm.s32 $_tile_overlayer_lowered  }
0x19: {  	s23 =	simm.s32 $0x1BFF;
	s22 =	sshll.u32 s6, $0x1;
	s3 =	sadd.s32 s20, s19  }
0x1a: {  	s7 =	simm.s32 $0x0;
	s21 =	sshll.u32 s5, $0x1;
	s5 =	sadd.s32 s22, s3  }
0x1b: {  	[timem:s7], [sflag:s23] =	dma.local [hbm:s5], s21  }
0x1c: {  	_ =	swait.ge [sflag:s23], s21  }
0x1d: {  	s4 =	ssub.s32 $0x0, s21;
	[sflag:s23] =	ssyncset.done $0x0  }
0x1e: {  	[sflag:s23] =	ssyncadd.s32 s4;
	_ =	sdelay $0x1  }
0x1f: {  	s24 =	simm.s32 $0x1B8B  }
0x20: {  	_ =	swait.ge [sflag:s24], $0x1  }
0x21: {  	[sflag:s24] =	ssyncset.done $0x0  }
0x22: {  	s26 =	simm.s32 $0x1B8E;
	s25 =	sld [smem:$0x3FFE];
	[sflag:s24] =	ssyncadd.s32 $0xFFFFFFFF  }
0x23: {  	s27 =	simm.s32 $execute0_lowered;
	[smem:$0x3FD2] =	sst s26  }
0x24: {  	s5 =	sshll.u32 s27, $0x1;
	_ =	strace $0x80000049;
	[dreg:$0x1] =	wrdreg $0xFFFFFFFF  }
0x25: {  	s28 =	simm.s32 $_size_execute0_lowered;
	s3 =	sadd.s32 s3, s5;
	[dreg:$0x0] =	wrdreg $0x0  }
0x26: {  	s5 =	sshll.u32 s28, $0x1;
	[dreg:$0x2] =	wrdreg s3  }
0x27: {  	[dreg:$0x3] =	wrdreg s5  }
0x28: {  	[dreg:$0x4] =	wrdreg $0xC0  }
0x29: {  	_ =	task [dreg:s7], $0x5FFFF  }
0x2a: {  	[dreg:$0x1] =	wrdreg $0xFFFFFFFF  }
0x2b: {  	[dreg:$0x0] =	wrdreg $0x60  }
0x2c: {  	[dreg:$0x2] =	wrdreg s25  }
0x2d: {  	[dreg:$0x3] =	wrdreg s17  }
0x2e: {  	[dreg:$0x4] =	wrdreg $0x9  }
0x2f: {  	_ =	task.clear_ibuf [dreg:s7], $0x5FFFF;
	_ =	strace $0x90000049  }
0x30: {  	s29 =	simm.s32 $0x9;
	_ =	strace $0x8000004B  }
0x31: {  	_ =	swait.ge [sflag:s29], $0x1  }
0x32: {  	[sflag:s29] =	ssyncadd.s32 $0xFFFFFFFF  }
0x33: {  	_ =	strace $0x9000004B  }
0x34: {  	_ =	sfence  }
0x35: {  	s30 =	sld [smem:$0x0];
	_ =	sdelay $0x2  }
0x36: {  	s31 =	sshll.u32 s1, $0xD;
	s1 =	sshrl.u32 s1, $0x2  }
0x37: {  	s3 =	sand.u32 $0x4000, s31;
	s1 =	sadd.s32 s1, s30  }
0x38: {  	s0 =	sor.u32 s3, s0;
	s1 =	sshll.u32 s1, $0x11  }
0x39: {  	s0 =	sor.u32 s1, s0  }
0x3a: {  	s0 =	sadd.s32 $0x8F2B, s0  }
0x3b: {  	[sflag:s0] =	ssyncadd.remote.s32 $0x1  }
0x3c: {  	_ =	sfence.sel $0xFFFF  }
0x3d: {  	[dreg:$0x0] =	wrdreg $0xFFFFFFFF;
	(pc) =	sbr.abs _section_cstart, $3  }
0x3e: {  	[dreg:$0x1] =	wrdreg $0xFFFFFFFF  }
0x3f: {  	_ =	task.clear_ibuf [dreg:s7], $0x2FFFF;
	_ =	strace $0x9FFFFFFF  }
0x40: {  	(tm) =	ssettm $0x7FFFFFFF  }
0x41: {  	_ =	shalt  }
tec
execute0_lowered:
.L_overlay_start_1:
0x0: {  	(tag) =	ssettag $0x1  }
0x1: {  	s4 =	rddreg [dreg:$0x0]  }
0x2: {  	s0 =	stileid.u32;
	s2 =	rddreg [dreg:$0x1]  }
0x3: {  	s7 =	srdreg.scid;
	s31 =	simm.s32 $0x2;
	s17 =	simm.s32 $0x0  }
0x4: {  	s9 =	simm.s32 $0x2000;
	s19 =	simm.s32 $0x0;
	s18 =	simm.s32 $0x0  }
0x5: {  	s10 =	simm.s32 $0x0;
	s11 =	simm.s32 $0x0;
	s1 =	sshll.u32 s0, $0x7  }
0x6: {  	s12 =	simm.s32 $0x0;
	s14 =	simm.s32 $0x0;
	s3 =	sand.u32 $0x380, s1  }
0x7: {  	s16 =	simm.s32 $0x0;
	s4 =	sadd.s32 $0x663400, s4;
	s5 =	ssub.s32 $0x400, s3  }
0x8: {  	s8 =	sshll.u32 s0, $0x4;
	s7 =	sshll.u32 s7, $0x8;
	s6 =	sand.u32 $0x380, s5  }
0x9: {  	s1 =	rddreg [dreg:$0x2];
	p0 =	sne.s32 s6, $0x0;
	s6 =	simm.s32 $0x1  }
.Ltmp0:
0xa: {  	s5 =	sshrl.u32 s5, $0xA;
	s6 =	simm.s32 @!p0 $0x0;
	(pc) =	sbr.rel .LBB1_1-.Ltmp0, $4  }
0xb: {  	_ =	strace $0x8000004A;
	s7 =	sor.u32 s8, s7;
	s6 =	sadd.s32 s6, s5  }
0xc: {  	s7 =	sand.u32 $0x180, s7;
	s5 =	simm.s32 $0x1;
	s6 =	smul.u32 $0x64, s6  }
0xd: {  	s15 =	smov.u32 s3;
	s13 =	smov.u32 s7;
	[sflag:s5] =	ssyncpa.u1 $0x0  }
0xe: {  	p0 =	por $0x0, $0x0;
	[sflag:s31] =	ssyncpa.u1 $0x0;
	s8 =	sor.u32 $0x1, s6  }
.LBB1_4:
0xf: {  	s25 =	sshll.u32 s10, $0xA;
	s24 =	sshra.s32 s24, $0x2;
	s26 =	sshll.u32 s12, $0x3  }
0x10: {  	p1 =	sgt.s32 s11, $0x31;
	s27 =	smov.u32 s11;
	s28 =	sshra.s32 s11, $0x1F  }
0x11: {  	p2 =	sgt.s32 s12, $0x380;
	s31 =	sshra.s32 s12, $0x1F;
	s25 =	sand.u32 $0xFFFFE000, s25  }
0x12: {  	s26 =	sand.u32 $0xFFFFFC00, s26;
	s27 =	simm.s32 @!p1 $0x31;
	s28 =	sand.u32 s28, s11  }
0x13: {  	[tilespmem:s22+$0x2040 ss:$0x81] =	vst.msk $0xffff, v4;
	s23 =	sadd.s32 s24, s23;
	s29 =	sadd.s32 s26, s25;
	s25 =	ssub.s32 s27, s28  }
0x14: {  	[tilespmem:s22+$0x2850 ss:$0x81] =	vst.msk $0xffff, v3;
	s27 =	smov.u32 s12;
	s28 =	smov.u32 s10;
	s26 =	sand.u32 s31, s12  }
0x15: {  	[tilespmem:s22+$0x3060 ss:$0x81] =	vst.msk $0xffff, v2;
	s24 =	sshrl.u32 s29, $0xA;
	s30 =	sadd.s32 $0xFFFFFFCF, s25;
	s27 =	simm.s32 @!p2 $0x380  }
0x16: {  	v5 =	vld [tilespmem:s21+$0xFFFFFFD0];
	[tilespmem:s22+$0x0 ss:$0x81] =	vst.msk $0xffff, v1;
	p2 =	sgt.s32 s10, $0x368;
	s29 =	sshra.s32 s10, $0x1F;
	s22 =	ssub.s32 $0x32, s25  }
0x17: {  	v58 =	vld [tilespmem:s21+$0xFFFFFFE0];
	p1 =	sgt.s32 s30, $0x0;
	s28 =	simm.s32 @!p2 $0x368;
	s29 =	sand.u32 s29, s10  }
0x18: {  	v59 =	vld [tilespmem:s21+$0xFFFFFFF0];
	s26 =	ssub.s32 s27, s26;
	s27 =	smulhi.u32 $0x418938, s24;
	s28 =	ssub.s32 s28, s29  }
0x19: {  	v60 =	vld [tilespmem:s21+$0x0];
	s30 =	sadd.s32 $0xFFFFFC80, s26;
	s25 =	ssub.s32 $0x400, s26;
	s22 =	simm.s32 @p1 $0x0  }
0x1a: {  	v61 =	vld [tilespmem:s21+$0x10];
	[tilespmem:s23+$0x3870 ss:$0x81] =	vst.msk $0xffff, v0;
	s29 =	sand.u32 $0x78, s12;
	p2 =	sgt.s32 s30, $0x7F;
	s31 =	sadd.s32 $0xFFFFFC98, s28  }
0x1b: {  	v62 =	vld [tilespmem:s21+$0x20];
	[tilespmem:s23+$0x810 ss:$0x81] =	vst.msk $0xffff, v5;
	s27 =	smul.u32 $0x3E8, s27;
	s30 =	sshll.u32 s10, $0x7;
	s28 =	ssub.s32 $0x3E8, s28  }
0x1c: {  	v63 =	vld [tilespmem:s21+$0xFFFFFFC0];
	[tilespmem:s23+$0x1020 ss:$0x81] =	vst.msk $0xffff, v58;
	s25 =	simm.s32 @p2 $0x0;
	p1 =	sgt.s32 s31, $0x7F;
	s31 =	smul.u32 $0x1F400, s11  }
0x1d: {  	[tilespmem:s23+$0x1830 ss:$0x81] =	vst.msk $0xffff, v59;
	s21 =	sand.u32 $0x380, s30;
	s22 =	smul.u32 s25, s22;
	s28 =	simm.s32 @p1 $0x0  }
0x1e: {  	[tilespmem:s23+$0x2040 ss:$0x81] =	vst.msk $0xffff, v60;
	s21 =	sor.u32 s29, s21;
	s24 =	ssub.s32 s24, s27;
	s29 =	sand.u32 $0x7, s12  }
0x1f: {  	[tilespmem:s23+$0x2850 ss:$0x81] =	vst.msk $0xffff, v61;
	s21 =	sshrl.u32 s21, $0x3;
	s25 =	sadd.s32 s2, s31;
	s22 =	smul.u32 s28, s22  }
0x20: {  	[tilespmem:s23+$0x3060 ss:$0x81] =	vst.msk $0xffff, v62;
	s24 =	sshll.u32 s24, $0x7;
	s30 =	sshll.u32 s29, $0x12;
	s21 =	sadd.s32 s21, s25  }
0x21: {  	[tilespmem:s23+$0x0 ss:$0x81] =	vst.msk $0xffff, v63;
	s31 =	sor.u32 $0x400, s30;
	s21 =	sadd.s32 s24, s21;
	s22 =	sand.u32 $0x3FFFFFFF, s22  }
0x22: {  	[hbm4b:s21+s31] =	stream.strided.scatter [tilespmem:s20], [sflag:$0x2], s22, s9, s31, $0x20;
	[tilespmem:$0x10100] =	vst v63  }
.LBB1_5:
0x23: {  	p1 =	slt.u32 s16, $0x2  }
0x24: {  	p2 =	sgt.s32 @!p1 s19, $0x31  }
0x25: {  	s20 =	smov.u32 s19;
	s21 =	sshra.s32 @!p1 s19, $0x1F;
	p2 =	por !p2, p1  }
0x26: {  	s19 =	sand.u32 @!p1 s21, s19;
	s20 =	simm.s32 @p2 $0x31  }
0x27: {  	p3 =	sgt.s32 @!p1 s17, $0x368;
	s19 =	ssub.s32 @!p1 s20, s19  }
0x28: {  	p4 =	sgt.s32 @!p1 s18, $0x380;
	s22 =	sshra.s32 @!p1 s18, $0x1F;
	s20 =	sadd.s32 @!p1 $0xFFFFFFCF, s19  }
0x29: {  	s21 =	smov.u32 s17;
	p2 =	sgt.s32 @!p1 s20, $0x0;
	s20 =	sshra.s32 @!p1 s17, $0x1F  }
0x2a: {  	p4 =	por !p4, p1;
	s17 =	sand.u32 @!p1 s20, s17;
	s20 =	smov.u32 s18  }
0x2b: {  	p3 =	por !p3, p1;
	s18 =	sand.u32 @!p1 s22, s18;
	s20 =	simm.s32 @p4 $0x380  }
0x2c: {  	s21 =	simm.s32 @p3 $0x368;
	s19 =	ssub.s32 @!p1 $0x32, s19;
	s18 =	ssub.s32 @!p1 s20, s18  }
0x2d: {  	p2 =	por !p2, p1;
	s17 =	ssub.s32 @!p1 s21, s17;
	s21 =	sadd.s32 @!p1 $0xFFFFFC80, s18  }
0x2e: {  	s19 =	simm.s32 @!p2 $0x0;
	p3 =	sgt.s32 @!p1 s21, $0x7F  }
0x2f: {  	s20 =	sadd.s32 @!p1 $0xFFFFFC98, s17;
	s18 =	ssub.s32 @!p1 $0x400, s18;
	p3 =	por !p3, p1  }
0x30: {  	p2 =	sgt.s32 @!p1 s20, $0x7F;
	s20 =	sadd.s32 $0x200, s13;
	s18 =	simm.s32 @!p3 $0x0  }
0x31: {  	p3 =	sgt.s32 s20, $0x3E7;
	s18 =	smul.u32 @!p1 s18, s19;
	s19 =	simm.s32 $0x1  }
0x32: {  	s17 =	ssub.s32 @!p1 $0x3E8, s17;
	p2 =	por !p2, p1;
	s19 =	simm.s32 @!p3 $0x0  }
0x33: {  	s22 =	smov.u32 s15;
	s17 =	simm.s32 @!p2 $0x0;
	s21 =	sadd.s32 s19, s14  }
0x34: {  	s17 =	smul.u32 @!p1 s17, s18;
	s18 =	sadd.s32 $0x400, s15;
	p2 =	sgt.s32 s21, $0x31  }
0x35: {  	p0 =	por !p0, !p0;
	s23 =	simm.s32 @!p1 $0x2;
	s22 =	smov.u32 @p2 s18  }
0x36: {  	s20 =	smov.u32 @p3 s7;
	s21 =	simm.s32 @p2 $0x0;
	p2 =	sgt.s32 s22, $0x3FF  }
0x37: {  	s19 =	smov.u32 s11;
	s22 =	smov.u32 @p2 s3;
	p2 =	sne.s32 s16, s8  }
.Ltmp1:
0x38: {  	s11 =	smov.u32 s14;
	s17 =	sand.u32 @!p1 $0x3FFFFFFF, s17;
	(pc) =	sbr.rel @!p2 .LBB1_6-.Ltmp1, $4  }
0x39: {  	s18 =	smov.u32 s12;
	s12 =	smov.u32 s15;
	_ =	swait.ge @!p1 [sflag:s23], s17  }
0x3a: {  	s24 =	ssub.s32 @!p1 $0x0, s17;
	s17 =	smov.u32 s10;
	s10 =	smov.u32 s13  }
0x3b: {  	s13 =	smov.u32 s20;
	s14 =	smov.u32 s21;
	[sflag:s23] =	ssyncset.done @!p1 $0x0  }
0x3c: {  	s16 =	sadd.s32 $0x1, s16;
	[sflag:s23] =	ssyncadd.s32 @!p1 s24;
	s15 =	smov.u32 s22  }
.LBB1_1:
0x3d: {  	p1 =	sge.u32 s16, s6  }
0x3e: {  	s20 =	sshll.u32 @!p1 s14, $0xA  }
0x3f: {  	s21 =	sshll.u32 @!p1 s13, $0x3;
	s20 =	sand.u32 @!p1 $0xFFFFE000, s20  }
0x40: {  	s20 =	sadd.s32 @!p1 s20, s21  }
0x41: {  	s20 =	sshrl.u32 @!p1 s20, $0xA  }
0x42: {  	s21 =	smulhi.u32 @!p1 $0x4924925, s20  }
0x43: {  	s22 =	sshll.u32 @!p1 s14, $0x7;
	s24 =	smul.u32 @!p1 $0x1C00, s15  }
0x44: {  	s23 =	sand.u32 @!p1 $0x78, s13;
	s22 =	sand.u32 @!p1 $0x380, s22;
	s21 =	smul.u32 @!p1 $0x38, s21  }
0x45: {  	s31 =	sadd.s32 $0xFFFFFFFF, s16;
	s22 =	sor.u32 @!p1 s23, s22;
	s23 =	sadd.s32 @!p1 s4, s24  }
0x46: {  	s22 =	sshrl.u32 @!p1 s22, $0x3;
	s20 =	ssub.s32 @!p1 s20, s21;
	s21 =	sxor.u32 @!p1 $0xFFFFFFFF, s16  }
0x47: {  	s22 =	sadd.s32 @!p1 s22, s23;
	s23 =	sand.u32 @!p1 $0x7, s13;
	s21 =	sshll.u32 @!p1 s21, $0xE  }
0x48: {  	s23 =	sshll.u32 @!p1 s23, $0x12;
	s20 =	sshll.u32 @!p1 s20, $0x7;
	s21 =	sand.u32 @!p1 $0x4000, s21  }
0x49: {  	s20 =	sadd.s32 @!p1 s20, s22;
	s22 =	sor.u32 @!p1 $0x80, s23;
	s23 =	simm.s32 @!p1 $0xE000  }
0x4a: {  	[tilespmem:s21], [sflag:$0x1] =	stream.strided.gather @!p1 [hbm4b:s20+s22], $0x4000, s23, s22, $0x38;
	[tilespmem:$0x10100] =	vst v63  }
0x4b: {  	p1 =	sge.u32 s31, s6  }
.Ltmp2:
0x4c: {  	_ = 	snop;
	(pc) =	sbr.rel @p1 .LBB1_5-.Ltmp2, $1  }
0x4d: {  	_ =	sdelay $0x3  }
0x4e: {  	s20 =	simm.s32 $0x1  }
0x4f: {  	_ =	swait.ge [sflag:s5], $0x4000;
	s20 =	simm.s32 @!p0 $0x0  }
0x50: {  	[sflag:s5] =	ssyncset.done $0x0;
	s21 =	sshll.u32 s20, $0xE  }
0x51: {  	[sflag:s5] =	ssyncadd.s32 $0xFFFFC000;
	s21 =	sor.u32 $0x40, s21  }
0x52: {  	s20 =	smul.u32 $0x10200, s20;
	v0 =	vld [tilespmem:s21+$0x30]  }
0x53: {  	v1 =	vld [tilespmem:s21+$0xFFFFFFD0]  }
0x54: {  	s20 =	sshrl.u32 s20, $0x2;
	v5 =	vld [tilespmem:s21+$0xFFFFFFE0]  }
0x55: {  	v6 =	vld [tilespmem:s21+$0xFFFFFFF0];
	s23 =	sor.u32 $0x8000, s20  }
0x56: {  	s31 =	sand.u32 $0x1, s16;
	v4 =	vld [tilespmem:s21+$0x0];
	s22 =	sadd.s32 $0x0, s23  }
0x57: {  	v3 =	vld [tilespmem:s21+$0x10];
	s20 =	smul.u32 $0x10200, s31;
	[tilespmem:s22+$0x3870 ss:$0x81] =	vst.msk $0xffff, v0  }
0x58: {  	v2 =	vld [tilespmem:s21+$0x20];
	[tilespmem:s22+$0x810 ss:$0x81] =	vst.msk $0xffff, v1  }
0x59: {  	s20 =	sshrl.u32 s20, $0x2;
	v1 =	vld [tilespmem:s21+$0xFFFFFFC0];
	[tilespmem:s22+$0x1020 ss:$0x81] =	vst.msk $0xffff, v5;
	s21 =	sadd.s32 $0x80, s21  }
0x5a: {  	s24 =	simm.s32 $0x4;
	s25 =	simm.s32 $0x8;
	s20 =	sor.u32 $0x8000, s20;
	[tilespmem:s22+$0x1830 ss:$0x81] =	vst.msk $0xffff, v6;
	v0 =	vld [tilespmem:s21+$0x30]  }
.LBB1_3:
0x5b: {  	p1 =	sne.s32 s25, $0x1FC;
	v5 =	vld [tilespmem:s21+$0xFFFFFFD0];
	[tilespmem:s22+$0x2040 ss:$0x81] =	vst.msk $0xffff, v4  }
0x5c: {  	v6 =	vld [tilespmem:s21+$0xFFFFFFE0];
	[tilespmem:s22+$0x2850 ss:$0x81] =	vst.msk $0xffff, v3  }
0x5d: {  	s26 =	sshra.s32 s24, $0x2;
	s24 =	smov.u32 s25;
	v7 =	vld [tilespmem:s21+$0xFFFFFFF0];
	[tilespmem:s22+$0x3060 ss:$0x81] =	vst.msk $0xffff, v2  }
.Ltmp3:
0x5e: {  	v4 =	vld [tilespmem:s21+$0x0];
	[tilespmem:s22+$0x0 ss:$0x81] =	vst.msk $0xffff, v1;
	s22 =	sadd.s32 s26, s23;
	(pc) =	sbr.rel @p1 .LBB1_3-.Ltmp3, $4  }
0x5f: {  	v3 =	vld [tilespmem:s21+$0x10];
	[tilespmem:s22+$0x3870 ss:$0x81] =	vst.msk $0xffff, v0  }
0x60: {  	[tilespmem:s22+$0x810 ss:$0x81] =	vst.msk $0xffff, v5;
	v2 =	vld [tilespmem:s21+$0x20]  }
0x61: {  	v1 =	vld [tilespmem:s21+$0xFFFFFFC0];
	[tilespmem:s22+$0x1020 ss:$0x81] =	vst.msk $0xffff, v6;
	s21 =	sadd.s32 $0x80, s21  }
0x62: {  	s25 =	sadd.s32 $0x4, s25;
	v0 =	vld [tilespmem:s21+$0x30];
	[tilespmem:s22+$0x1830 ss:$0x81] =	vst.msk $0xffff, v7  }
.Ltmp4:
0x63: {  	_ = 	snop;
	(pc) =	sbr.rel .LBB1_4-.Ltmp4, $1  }
0x64: {  	_ =	sdelay $0x3  }
.LBB1_6:
0x65: {  	_ =	sfence.sel $0x180000  }
0x66: {  	s2 =	simm.s32 $0x1;
	[bflag:$0x0] =	sbarrier.arrive $0xFFFF  }
0x67: {  	s31 =	simm.s32 $0x2;
	[sflag:s2] =	ssyncpa.u1 $0x1  }
0x68: {  	[sflag:s31] =	ssyncpa.u1 $0x1  }
0x69: {  	p0 =	sne.s32 s0, $0x0;
	_ =	strace $0x9000004A  }
0x6a: {  	s0 =	sadd.s32 @!p0 $0x100000, s1;
	[bflag:$0x2] =	sbarrier.arrive $0xFFFF  }
0x6b: {  	[sflag:s0] =	ssyncadd.tile.s32 @!p0 $0x1;
	_ =	shalt  }
.Lfunc_end1:
_tile_overlayer_lowered:
.L_overlay_start_2:
0x6c: {  	(tag) =	ssettag $0x2  }
0x6d: {  	s0 =	rddreg [dreg:$0x0];
	s2 =	stileid.u32  }
0x6e: {  	s1 =	rddreg [dreg:$0x1];
	p0 =	sne.s32 s2, $0x0  }
0x6f: {  	s3 =	rddreg [dreg:$0x2];
	[bflag:$0x3] =	sbarrier.arrive $0xFFFF;
	s2 =	simm.s32 @!p0 $0x1C01  }
0x70: {  	[timem:s3], [sflag:s2] =	dma.local @!p0 [hbm:s0], s1  }
0x71: {  	s0 =	simm.s32 @!p0 $0x1  }
0x72: {  	_ =	swait.ge @!p0 [sflag:s0], s1  }
0x73: {  	s1 =	ssub.s32 @!p0 $0x0, s1;
	[sflag:s0] =	ssyncset.done @!p0 $0x0  }
0x74: {  	[sflag:s0] =	ssyncadd.s32 @!p0 s1  }
0x75: {  	[bflag:$0x3] =	sbarrier.arrive $0xFFFF  }
0x76: {  	_ =	shalt  }

</sc_bundles>
